<compile_context>
chip_gen: v7x
topology: tpu7x:2x2x1
jax: 0.10.2.dev20260603
libtpu: 0.0.44.dev20260713+nightly
codegen_flags: <defaults>
</compile_context>

<pallas_src>
import jax
import jax.numpy as jnp
from jax import lax
from jax.experimental import pallas as pl
from jax.experimental.pallas import tpu as pltpu
from jax.experimental.pallas import tpu_sc as plsc

B = 4096
L = 200
D = 64
C = 2
V = 1000000
V8 = V // 8

NC = 2
NS = 16
NW = NC * NS
BPW = B // NW
CHUNK = 100
ROWS_I = 2 * BPW
NBUF = 4


BLKV = 32768


def _proj_body(t_ref, w_ref, q_ref):
    d = lax.dot_general(w_ref[...], t_ref[...], (((1,), (0,)), ((), ())),
                        preferred_element_type=jnp.float32)
    u0 = lax.bitcast_convert_type(
        d[0, :].astype(jnp.bfloat16), jnp.uint16).astype(jnp.uint32)
    u1 = lax.bitcast_convert_type(
        d[1, :].astype(jnp.bfloat16), jnp.uint16).astype(jnp.uint32)
    q_ref[...] = lax.bitcast_convert_type((u0 << 16) | u1, jnp.float32)


_project = pl.pallas_call(
    _proj_body,
    grid=(pl.cdiv(V, BLKV),),
    in_specs=[
        pl.BlockSpec((D, BLKV), lambda i: (0, i)),
        pl.BlockSpec((C, D), lambda i: (0, 0)),
    ],
    out_specs=pl.BlockSpec((BLKV,), lambda i: (i,)),
    out_shape=jax.ShapeDtypeStruct((V,), jnp.float32),
)



def _sc_body(hi_hbm, lo_hbm, q_hbm, out_hbm,
             hi_v, lo_v, rows_v, out_v, s0, s1, s2, s3):
    sems = (s0, s1, s2, s3)
    wid = lax.axis_index("s") * NC + lax.axis_index("c")
    base = wid * BPW
    pltpu.sync_copy(hi_hbm.at[pl.ds(base * 2, ROWS_I)], hi_v)
    pltpu.sync_copy(lo_hbm.at[pl.ds(base * 2, ROWS_I)], lo_v)

    z = jnp.zeros((16,), jnp.float32)
    lane = lax.iota(jnp.int32, 16)

    def gather(c, j):
        return pltpu.make_async_copy(
            q_hbm.at[hi_v.at[c]], rows_v.at[j], sems[j])

    def start(c, j):
        gather(c, j).start()

    def wait(c, j):
        gather(c, j).wait()

    for j in range(NBUF):
        start(j, j)

    hi_mask = jnp.full((16,), 0xFFFF0000, jnp.uint32)

    tail_m = lane >= 12

    def accumulate(c, j, accs):
        def tok1(base, accs, mask=None):
            a0, a1 = accs
            col = lo_v[c, pl.ds(base, 16)]
            row = base + lane
            x = plsc.bitcast(
                plsc.load_gather(rows_v.at[j], [row, col], mask=mask),
                jnp.uint32)
            if mask is not None:
                x = jnp.where(mask, x, 0)
            a0 = a0 + plsc.bitcast(x & hi_mask, jnp.float32)
            a1 = a1 + plsc.bitcast(x << 16, jnp.float32)
            return (a0, a1)
        accs = lax.fori_loop(
            0, CHUNK // 16, lambda t, a: tok1(16 * t, a), accs, unroll=6)
        return tok1(84, accs, mask=tail_m)

    def pair_body(bb, _):
        c0 = NBUF * bb
        accs = (z, z)
        for j in range(NBUF):
            c = c0 + j
            wait(c, j)
            accs = accumulate(c, j, accs)
            nxt = jnp.minimum(c + NBUF, ROWS_I - 1)
            start(nxt, j)
            if j % 2 == 1:
                out_v[(NBUF // 2) * bb + j // 2, pl.ds(0, 16)] = accs[0]
                out_v[(NBUF // 2) * bb + j // 2, pl.ds(16, 16)] = accs[1]
                accs = (z, z)
        return 0

    lax.fori_loop(0, ROWS_I // NBUF, pair_body, 0)
    for j in range(NBUF):
        wait(ROWS_I - 1, j)
    pltpu.sync_copy(out_v, out_hbm.at[pl.ds(base, BPW)])


_SC_CACHE = {}


def _sc_gather_sum_fn():
    if "k" not in _SC_CACHE:
        _SC_CACHE["k"] = pl.kernel(
            _sc_body,
            out_type=jax.ShapeDtypeStruct((B, 2 * 16), jnp.float32),
            mesh=plsc.VectorSubcoreMesh(
                core_axis_name="c", subcore_axis_name="s",
                num_cores=NC, num_subcores=NS,
            ),
            scratch_types=[
                pltpu.VMEM((ROWS_I, CHUNK), jnp.int32),
                pltpu.VMEM((ROWS_I, CHUNK), jnp.int32),
                pltpu.VMEM((NBUF, CHUNK, 8), jnp.float32),
                pltpu.VMEM((BPW, 2 * 16), jnp.float32),
            ] + [pltpu.SemaphoreType.DMA] * NBUF,
            compiler_params=pltpu.CompilerParams(
                use_tc_tiling_on_sc=False, needs_layout_passes=False),
        )
    return _SC_CACHE["k"]



BB = 512


def _head_body(ids_ref, sums_ref, b_ref, out_ref):
    ids = ids_ref[...]
    cnt = jnp.sum((ids != 0).astype(jnp.float32), axis=1, keepdims=True)
    s0 = jnp.sum(sums_ref[:, 0:16], axis=1, keepdims=True)
    s1 = jnp.sum(sums_ref[:, 16:32], axis=1, keepdims=True)
    s = jnp.concatenate([s0, s1], axis=1)
    out_ref[...] = s / (cnt + 1e-8) + b_ref[...]


_head = pl.pallas_call(
    _head_body,
    grid=(B // BB,),
    in_specs=[
        pl.BlockSpec((BB, L), lambda i: (i, 0)),
        pl.BlockSpec((BB, 2 * 16), lambda i: (i, 0)),
        pl.BlockSpec((1, C), lambda i: (0, 0)),
    ],
    out_specs=pl.BlockSpec((BB, C), lambda i: (i, 0)),
    out_shape=jax.ShapeDtypeStruct((B, C), jnp.float32),
)


def kernel(input_ids, table, W, b):
    ids = input_ids.astype(jnp.int32)
    q = _project(table.T, W)
    ids2 = ids.reshape(B * 2, CHUNK)
    sums = _sc_gather_sum_fn()(ids2 >> 3, ids2 & 7, q.reshape(V8, 8))
    return _head(ids, sums, b.reshape(1, C))

# --- scband reference (transcript-rebuilt; emitter-appended) ---
"""Pipeline reference for scband-embedding-classifier-5420248727900 (READ-ONLY COPY).

The authoritative reference and input builder live on the scoring server;
editing this copy changes nothing except your own understanding.
"""

import jax, jax.numpy as jnp
import numpy as np
import math

VOCAB = 1000000
EMBED_DIM = 64
NUM_CLASSES = 2
BATCH = 4096
SEQ_LEN = 200


def setup_inputs(seed: int = 0) -> dict:
    key = jax.random.key(seed)
    k1, k2, k3 = jax.random.split(key, 3)
    input_ids = jax.random.randint(k1, (BATCH, SEQ_LEN), 0, VOCAB, dtype=jnp.int64 if jax.config.jax_enable_x64 else jnp.int32)
    # Embedding table (padding_idx=0 row zeroed, matching nn.Embedding(padding_idx=0))
    table = jax.random.normal(k2, (VOCAB, EMBED_DIM), dtype=jnp.float32)
    table = table.at[0].set(0.0)
    # Linear classifier params (torch nn.Linear init scale)
    bound = 1.0 / math.sqrt(EMBED_DIM)
    W = jax.random.uniform(k3, (NUM_CLASSES, EMBED_DIM), dtype=jnp.float32, minval=-bound, maxval=bound)
    b = jnp.zeros((NUM_CLASSES,), dtype=jnp.float32)
    return {"input_ids": input_ids, "table": table, "W": W, "b": b}


def reference(input_ids, table, W, b):
    # embeds = self.embeddings(input_ids)
    embeds = jnp.take(table, input_ids, axis=0)  # [B, L, D]
    # mask = (input_ids != 0).float().unsqueeze(-1)
    mask = (input_ids != 0).astype(jnp.float32)[..., None]  # [B, L, 1]
    masked_embeds = embeds * mask
    # seq_lens = mask.sum(dim=1)
    seq_lens = mask.sum(axis=1)  # [B, 1]
    sentence_embed = masked_embeds.sum(axis=1) / (seq_lens + 1e-08)  # [B, D]
    # logits = self.classifier(sentence_embed)
    logits = sentence_embed @ W.T + b  # [B, C]
    return logits

if __name__ == "__main__":
    import jax
    _d = setup_inputs()
    print(jax.jit(kernel)(*tuple(_d.values())))

</pallas_src>

<mosaic_0001>
#map = affine_map<(d0, d1) -> (0, 0)>
module attributes {stable_mosaic.version = 14 : i64} {
  func.func @_sc_body(%arg0: i32, %arg1: i32, %arg2: memref<8192x100xi32, #tpu.memory_space<hbm>>, %arg3: memref<8192x100xi32, #tpu.memory_space<hbm>>, %arg4: memref<125000x8xf32, #tpu.memory_space<hbm>>, %arg5: memref<4096x32xf32, #tpu.memory_space<hbm>>, %arg6: memref<256x100xi32, #tpu.memory_space<vmem>>, %arg7: memref<256x100xi32, #tpu.memory_space<vmem>>, %arg8: memref<4x100x8xf32, #tpu.memory_space<vmem>>, %arg9: memref<128x32xf32, #tpu.memory_space<vmem>>, %arg10: memref<!tpu.dma_semaphore, #tpu.memory_space<semaphore_mem>>, %arg11: memref<!tpu.dma_semaphore, #tpu.memory_space<semaphore_mem>>, %arg12: memref<!tpu.dma_semaphore, #tpu.memory_space<semaphore_mem>>, %arg13: memref<!tpu.dma_semaphore, #tpu.memory_space<semaphore_mem>>) attributes {dimension_semantics = [#tpu.dimension_semantics<core_parallel>, #tpu.dimension_semantics<subcore_parallel>], iteration_bounds = array<i64: 2, 16>, scalar_prefetch = 0 : i64, scratch_operands = 8 : i64, tpu.core_type = #tpu.core_type<sc_vector_subcore>, window_params = [{transform_indices = #map}, {transform_indices = #map}, {transform_indices = #map}, {transform_indices = #map}]} {
    %mul3A = arith.constant 2 : i32
    %mul3A_0 = arith.muli %arg1, %mul3A : i32
    %add3A = arith.addi %mul3A_0, %arg0 : i32
    %mul3A_1 = arith.constant 128 : i32
    %mul3A_2 = arith.muli %add3A, %mul3A_1 : i32
    %mul3A_3 = arith.constant 2 : i32
    %mul3A_4 = arith.muli %mul3A_2, %mul3A_3 : i32
    "tpu.region"() ({
      %run_scoped3A = tpu.sem_alloc : memref<!tpu.dma_semaphore, #tpu.memory_space<semaphore_mem>>
      %dma_start3A_112 = arith.constant 0 : i32
      %dma_start3A_113 = tpu.memref_slice %arg2[%mul3A_4, %dma_start3A_112] : memref<8192x100xi32, #tpu.memory_space<hbm>> -> memref<256x100xi32, #tpu.memory_space<hbm>>
      %dma_start3A_114 = arith.constant 0 : i32
      %dma_start3A_115 = tpu.memref_slice %arg2[%mul3A_4, %dma_start3A_114] : memref<8192x100xi32, #tpu.memory_space<hbm>> -> memref<256x100xi32, #tpu.memory_space<hbm>>
      tpu.enqueue_dma source(%dma_start3A_115 : memref<256x100xi32, #tpu.memory_space<hbm>>) target(%arg6 : memref<256x100xi32, #tpu.memory_space<vmem>>) target_semaphore(%run_scoped3A : memref<!tpu.dma_semaphore, #tpu.memory_space<semaphore_mem>>)
      %dma_wait3A_116 = arith.constant 0 : i32
      %dma_wait3A_117 = tpu.memref_slice %arg2[%mul3A_4, %dma_wait3A_116] : memref<8192x100xi32, #tpu.memory_space<hbm>> -> memref<256x100xi32, #tpu.memory_space<hbm>>
      %dma_wait3A_118 = arith.constant 0 : i32
      %dma_wait3A_119 = tpu.memref_slice %arg2[%mul3A_4, %dma_wait3A_118] : memref<8192x100xi32, #tpu.memory_space<hbm>> -> memref<256x100xi32, #tpu.memory_space<hbm>>
      tpu.wait_dma2 semaphore(%run_scoped3A : memref<!tpu.dma_semaphore, #tpu.memory_space<semaphore_mem>>) src(%dma_wait3A_119 : memref<256x100xi32, #tpu.memory_space<hbm>>) dst(%arg6 : memref<256x100xi32, #tpu.memory_space<vmem>>)
      tpu.yield
    }) : () -> ()
    %mul3A_5 = arith.constant 2 : i32
    %mul3A_6 = arith.muli %mul3A_2, %mul3A_5 : i32
    "tpu.region"() ({
      %run_scoped3A = tpu.sem_alloc : memref<!tpu.dma_semaphore, #tpu.memory_space<semaphore_mem>>
      %dma_start3A_112 = arith.constant 0 : i32
      %dma_start3A_113 = tpu.memref_slice %arg3[%mul3A_6, %dma_start3A_112] : memref<8192x100xi32, #tpu.memory_space<hbm>> -> memref<256x100xi32, #tpu.memory_space<hbm>>
      %dma_start3A_114 = arith.constant 0 : i32
      %dma_start3A_115 = tpu.memref_slice %arg3[%mul3A_6, %dma_start3A_114] : memref<8192x100xi32, #tpu.memory_space<hbm>> -> memref<256x100xi32, #tpu.memory_space<hbm>>
      tpu.enqueue_dma source(%dma_start3A_115 : memref<256x100xi32, #tpu.memory_space<hbm>>) target(%arg7 : memref<256x100xi32, #tpu.memory_space<vmem>>) target_semaphore(%run_scoped3A : memref<!tpu.dma_semaphore, #tpu.memory_space<semaphore_mem>>)
      %dma_wait3A_116 = arith.constant 0 : i32
      %dma_wait3A_117 = tpu.memref_slice %arg3[%mul3A_6, %dma_wait3A_116] : memref<8192x100xi32, #tpu.memory_space<hbm>> -> memref<256x100xi32, #tpu.memory_space<hbm>>
      %dma_wait3A_118 = arith.constant 0 : i32
      %dma_wait3A_119 = tpu.memref_slice %arg3[%mul3A_6, %dma_wait3A_118] : memref<8192x100xi32, #tpu.memory_space<hbm>> -> memref<256x100xi32, #tpu.memory_space<hbm>>
      tpu.wait_dma2 semaphore(%run_scoped3A : memref<!tpu.dma_semaphore, #tpu.memory_space<semaphore_mem>>) src(%dma_wait3A_119 : memref<256x100xi32, #tpu.memory_space<hbm>>) dst(%arg7 : memref<256x100xi32, #tpu.memory_space<vmem>>)
      tpu.yield
    }) : () -> ()
    %broadcast_in_dim3A = arith.constant 0.000000e+00 : f32
    %broadcast_in_dim3A_7 = vector.broadcast %broadcast_in_dim3A : f32 to vector<16xf32>
    %iota3A = tpu.iota {dimensions = array<i32: 0>} : vector<16xi32>
    %dma_start3A = arith.constant 0 : i32
    %dma_start3A_8 = arith.constant 0 : i32
    %dma_start3A_9 = arith.constant 0 : i32
    %dma_start3A_10 = arith.constant 0 : i32
    %dma_start3A_11 = tpu.memref_slice %arg8[%dma_start3A_8, %dma_start3A_9, %dma_start3A_10] : memref<4x100x8xf32, #tpu.memory_space<vmem>> -> memref<1x100x8xf32, #tpu.memory_space<vmem>>
    %dma_start3A_12 = tpu.memref_squeeze %dma_start3A_11 : memref<1x100x8xf32, #tpu.memory_space<vmem>> -> memref<100x8xf32, #tpu.memory_space<vmem>>
    %dma_start3A_13 = arith.constant 0 : i32
    %dma_start3A_14 = tpu.memref_slice %arg6[%dma_start3A, %dma_start3A_13] : memref<256x100xi32, #tpu.memory_space<vmem>> -> memref<1x100xi32, #tpu.memory_space<vmem>>
    %dma_start3A_15 = tpu.memref_squeeze %dma_start3A_14 : memref<1x100xi32, #tpu.memory_space<vmem>> -> memref<100xi32, #tpu.memory_space<vmem>>
    %dma_start3A_16 = arith.constant 0 : i32
    %dma_start3A_17 = arith.constant 0 : i32
    %dma_start3A_18 = tpu.memref_slice %arg4[%dma_start3A_16, %dma_start3A_17] : memref<125000x8xf32, #tpu.memory_space<hbm>> -> memref<125000x8xf32, #tpu.memory_space<hbm>>
    tpu.enqueue_indirect_dma source(%dma_start3A_18 : memref<125000x8xf32, #tpu.memory_space<hbm>>) target(%dma_start3A_12 : memref<100x8xf32, #tpu.memory_space<vmem>>) offsets(%dma_start3A_15 : memref<100xi32, #tpu.memory_space<vmem>>) semaphore(%arg10 : memref<!tpu.dma_semaphore, #tpu.memory_space<semaphore_mem>>)
    %dma_start3A_19 = arith.constant 1 : i32
    %dma_start3A_20 = arith.constant 1 : i32
    %dma_start3A_21 = arith.constant 0 : i32
    %dma_start3A_22 = arith.constant 0 : i32
    %dma_start3A_23 = tpu.memref_slice %arg8[%dma_start3A_20, %dma_start3A_21, %dma_start3A_22] : memref<4x100x8xf32, #tpu.memory_space<vmem>> -> memref<1x100x8xf32, #tpu.memory_space<vmem>>
    %dma_start3A_24 = tpu.memref_squeeze %dma_start3A_23 : memref<1x100x8xf32, #tpu.memory_space<vmem>> -> memref<100x8xf32, #tpu.memory_space<vmem>>
    %dma_start3A_25 = arith.constant 0 : i32
    %dma_start3A_26 = tpu.memref_slice %arg6[%dma_start3A_19, %dma_start3A_25] : memref<256x100xi32, #tpu.memory_space<vmem>> -> memref<1x100xi32, #tpu.memory_space<vmem>>
    %dma_start3A_27 = tpu.memref_squeeze %dma_start3A_26 : memref<1x100xi32, #tpu.memory_space<vmem>> -> memref<100xi32, #tpu.memory_space<vmem>>
    %dma_start3A_28 = arith.constant 0 : i32
    %dma_start3A_29 = arith.constant 0 : i32
    %dma_start3A_30 = tpu.memref_slice %arg4[%dma_start3A_28, %dma_start3A_29] : memref<125000x8xf32, #tpu.memory_space<hbm>> -> memref<125000x8xf32, #tpu.memory_space<hbm>>
    tpu.enqueue_indirect_dma source(%dma_start3A_30 : memref<125000x8xf32, #tpu.memory_space<hbm>>) target(%dma_start3A_24 : memref<100x8xf32, #tpu.memory_space<vmem>>) offsets(%dma_start3A_27 : memref<100xi32, #tpu.memory_space<vmem>>) semaphore(%arg11 : memref<!tpu.dma_semaphore, #tpu.memory_space<semaphore_mem>>)
    %dma_start3A_31 = arith.constant 2 : i32
    %dma_start3A_32 = arith.constant 2 : i32
    %dma_start3A_33 = arith.constant 0 : i32
    %dma_start3A_34 = arith.constant 0 : i32
    %dma_start3A_35 = tpu.memref_slice %arg8[%dma_start3A_32, %dma_start3A_33, %dma_start3A_34] : memref<4x100x8xf32, #tpu.memory_space<vmem>> -> memref<1x100x8xf32, #tpu.memory_space<vmem>>
    %dma_start3A_36 = tpu.memref_squeeze %dma_start3A_35 : memref<1x100x8xf32, #tpu.memory_space<vmem>> -> memref<100x8xf32, #tpu.memory_space<vmem>>
    %dma_start3A_37 = arith.constant 0 : i32
    %dma_start3A_38 = tpu.memref_slice %arg6[%dma_start3A_31, %dma_start3A_37] : memref<256x100xi32, #tpu.memory_space<vmem>> -> memref<1x100xi32, #tpu.memory_space<vmem>>
    %dma_start3A_39 = tpu.memref_squeeze %dma_start3A_38 : memref<1x100xi32, #tpu.memory_space<vmem>> -> memref<100xi32, #tpu.memory_space<vmem>>
    %dma_start3A_40 = arith.constant 0 : i32
    %dma_start3A_41 = arith.constant 0 : i32
    %dma_start3A_42 = tpu.memref_slice %arg4[%dma_start3A_40, %dma_start3A_41] : memref<125000x8xf32, #tpu.memory_space<hbm>> -> memref<125000x8xf32, #tpu.memory_space<hbm>>
    tpu.enqueue_indirect_dma source(%dma_start3A_42 : memref<125000x8xf32, #tpu.memory_space<hbm>>) target(%dma_start3A_36 : memref<100x8xf32, #tpu.memory_space<vmem>>) offsets(%dma_start3A_39 : memref<100xi32, #tpu.memory_space<vmem>>) semaphore(%arg12 : memref<!tpu.dma_semaphore, #tpu.memory_space<semaphore_mem>>)
    %dma_start3A_43 = arith.constant 3 : i32
    %dma_start3A_44 = arith.constant 3 : i32
    %dma_start3A_45 = arith.constant 0 : i32
    %dma_start3A_46 = arith.constant 0 : i32
    %dma_start3A_47 = tpu.memref_slice %arg8[%dma_start3A_44, %dma_start3A_45, %dma_start3A_46] : memref<4x100x8xf32, #tpu.memory_space<vmem>> -> memref<1x100x8xf32, #tpu.memory_space<vmem>>
    %dma_start3A_48 = tpu.memref_squeeze %dma_start3A_47 : memref<1x100x8xf32, #tpu.memory_space<vmem>> -> memref<100x8xf32, #tpu.memory_space<vmem>>
    %dma_start3A_49 = arith.constant 0 : i32
    %dma_start3A_50 = tpu.memref_slice %arg6[%dma_start3A_43, %dma_start3A_49] : memref<256x100xi32, #tpu.memory_space<vmem>> -> memref<1x100xi32, #tpu.memory_space<vmem>>
    %dma_start3A_51 = tpu.memref_squeeze %dma_start3A_50 : memref<1x100xi32, #tpu.memory_space<vmem>> -> memref<100xi32, #tpu.memory_space<vmem>>
    %dma_start3A_52 = arith.constant 0 : i32
    %dma_start3A_53 = arith.constant 0 : i32
    %dma_start3A_54 = tpu.memref_slice %arg4[%dma_start3A_52, %dma_start3A_53] : memref<125000x8xf32, #tpu.memory_space<hbm>> -> memref<125000x8xf32, #tpu.memory_space<hbm>>
    tpu.enqueue_indirect_dma source(%dma_start3A_54 : memref<125000x8xf32, #tpu.memory_space<hbm>>) target(%dma_start3A_48 : memref<100x8xf32, #tpu.memory_space<vmem>>) offsets(%dma_start3A_51 : memref<100xi32, #tpu.memory_space<vmem>>) semaphore(%arg13 : memref<!tpu.dma_semaphore, #tpu.memory_space<semaphore_mem>>)
    %broadcast_in_dim3A_55 = arith.constant -65536 : i32
    %broadcast_in_dim3A_56 = vector.broadcast %broadcast_in_dim3A_55 : i32 to vector<16xi32>
    %ge3A = arith.constant 12 : i32
    %ge3A_57 = vector.broadcast %ge3A : i32 to vector<16xi32>
    %ge3A_58 = arith.cmpi sge, %iota3A, %ge3A_57 : vector<16xi32>
    %scan3A = arith.constant 0 : i32
    %scan3A_59 = arith.constant 0 : i32
    %scan3A_60 = arith.constant 64 : i32
    %scan3A_61 = arith.addi %scan3A_59, %scan3A_60 : i32
    %scan3A_62 = arith.constant 1 : i32
    %scan3A_63 = scf.for %scan3A_112 = %scan3A_59 to %scan3A_61 step %scan3A_62 iter_args(%scan3A_113 = %scan3A) -> (i32)  : i32 {
      %mul3A_114 = arith.constant 4 : i32
      %mul3A_115 = arith.muli %mul3A_114, %scan3A_112 : i32
      %add3A_116 = arith.constant 0 : i32
      %add3A_117 = arith.addi %mul3A_115, %add3A_116 : i32
      %dma_wait3A_118 = arith.constant 0 : i32
      %dma_wait3A_119 = arith.constant 0 : i32
      %dma_wait3A_120 = arith.constant 0 : i32
      %dma_wait3A_121 = tpu.memref_slice %arg8[%dma_wait3A_118, %dma_wait3A_119, %dma_wait3A_120] : memref<4x100x8xf32, #tpu.memory_space<vmem>> -> memref<1x100x8xf32, #tpu.memory_space<vmem>>
      %dma_wait3A_122 = tpu.memref_squeeze %dma_wait3A_121 : memref<1x100x8xf32, #tpu.memory_space<vmem>> -> memref<100x8xf32, #tpu.memory_space<vmem>>
      %dma_wait3A_123 = arith.constant 0 : i32
      %dma_wait3A_124 = tpu.memref_slice %arg6[%add3A_117, %dma_wait3A_123] : memref<256x100xi32, #tpu.memory_space<vmem>> -> memref<1x100xi32, #tpu.memory_space<vmem>>
      %dma_wait3A_125 = tpu.memref_squeeze %dma_wait3A_124 : memref<1x100xi32, #tpu.memory_space<vmem>> -> memref<100xi32, #tpu.memory_space<vmem>>
      %dma_wait3A_126 = arith.constant 0 : i32
      %dma_wait3A_127 = arith.constant 0 : i32
      %dma_wait3A_128 = tpu.memref_slice %arg4[%dma_wait3A_126, %dma_wait3A_127] : memref<125000x8xf32, #tpu.memory_space<hbm>> -> memref<125000x8xf32, #tpu.memory_space<hbm>>
      tpu.wait_indirect_dma semaphore(%arg10 : memref<!tpu.dma_semaphore, #tpu.memory_space<semaphore_mem>>) src(%dma_wait3A_128 : memref<125000x8xf32, #tpu.memory_space<hbm>>) dst(%dma_wait3A_122 : memref<100x8xf32, #tpu.memory_space<vmem>>)
      %scan3A_129 = arith.constant 0 : i32
      %mul3A_130 = arith.constant 16 : i32
      %mul3A_131 = arith.muli %mul3A_130, %scan3A_129 : i32
      %get3A = arith.index_cast %add3A_117 : i32 to index
      %get3A_132 = arith.index_cast %mul3A_131 : i32 to index
      %get3A_133 = tpu.vector_load %arg7[%get3A, %get3A_132] {strides = array<i32>} : memref<256x100xi32, #tpu.memory_space<vmem>>, vector<16xi32>,
      %add3A_134 = vector.broadcast %mul3A_131 : i32 to vector<16xi32>
      %add3A_135 = arith.addi %add3A_134, %iota3A : vector<16xi32>
      %gather3A = arith.constant 0 : i32
      %gather3A_136 = arith.constant 0 : i32
      %gather3A_137 = arith.constant 0 : i32
      %gather3A_138 = tpu.memref_slice %arg8[%gather3A, %gather3A_136, %gather3A_137] : memref<4x100x8xf32, #tpu.memory_space<vmem>> -> memref<1x100x8xf32, #tpu.memory_space<vmem>>
      %gather3A_139 = tpu.memref_squeeze %gather3A_138 : memref<1x100x8xf32, #tpu.memory_space<vmem>> -> memref<100x8xf32, #tpu.memory_space<vmem>>
      %gather3A_140 = tpu.vector_load_idx %gather3A_139[%add3A_135, %get3A_133] : memref<100x8xf32, #tpu.memory_space<vmem>>[vector<16xi32>, vector<16xi32>], vector<16xf32>,
      %bitcast3A = vector.bitcast %gather3A_140 : vector<16xf32> to vector<16xi32>
      %and3A = arith.andi %bitcast3A, %broadcast_in_dim3A_56 : vector<16xi32>
      %bitcast3A_141 = vector.bitcast %and3A : vector<16xi32> to vector<16xf32>
      %add3A_142 = arith.addf %broadcast_in_dim3A_7, %bitcast3A_141 : vector<16xf32>
      %shift_left3A = arith.constant 16 : i32
      %shift_left3A_143 = vector.broadcast %shift_left3A : i32 to vector<16xi32>
      %shift_left3A_144 = arith.shli %bitcast3A, %shift_left3A_143 : vector<16xi32>
      %bitcast3A_145 = vector.bitcast %shift_left3A_144 : vector<16xi32> to vector<16xf32>
      %add3A_146 = arith.addf %broadcast_in_dim3A_7, %bitcast3A_145 : vector<16xf32>
      %scan3A_147 = arith.constant 1 : i32
      %mul3A_148 = arith.constant 16 : i32
      %mul3A_149 = arith.muli %mul3A_148, %scan3A_147 : i32
      %get3A_150 = arith.index_cast %add3A_117 : i32 to index
      %get3A_151 = arith.index_cast %mul3A_149 : i32 to index
      %get3A_152 = tpu.vector_load %arg7[%get3A_150, %get3A_151] {strides = array<i32>} : memref<256x100xi32, #tpu.memory_space<vmem>>, vector<16xi32>,
      %add3A_153 = vector.broadcast %mul3A_149 : i32 to vector<16xi32>
      %add3A_154 = arith.addi %add3A_153, %iota3A : vector<16xi32>
      %gather3A_155 = arith.constant 0 : i32
      %gather3A_156 = arith.constant 0 : i32
      %gather3A_157 = arith.constant 0 : i32
      %gather3A_158 = tpu.memref_slice %arg8[%gather3A_155, %gather3A_156, %gather3A_157] : memref<4x100x8xf32, #tpu.memory_space<vmem>> -> memref<1x100x8xf32, #tpu.memory_space<vmem>>
      %gather3A_159 = tpu.memref_squeeze %gather3A_158 : memref<1x100x8xf32, #tpu.memory_space<vmem>> -> memref<100x8xf32, #tpu.memory_space<vmem>>
      %gather3A_160 = tpu.vector_load_idx %gather3A_159[%add3A_154, %get3A_152] : memref<100x8xf32, #tpu.memory_space<vmem>>[vector<16xi32>, vector<16xi32>], vector<16xf32>,
      %bitcast3A_161 = vector.bitcast %gather3A_160 : vector<16xf32> to vector<16xi32>
      %and3A_162 = arith.andi %bitcast3A_161, %broadcast_in_dim3A_56 : vector<16xi32>
      %bitcast3A_163 = vector.bitcast %and3A_162 : vector<16xi32> to vector<16xf32>
      %add3A_164 = arith.addf %add3A_142, %bitcast3A_163 : vector<16xf32>
      %shift_left3A_165 = arith.constant 16 : i32
      %shift_left3A_166 = vector.broadcast %shift_left3A_165 : i32 to vector<16xi32>
      %shift_left3A_167 = arith.shli %bitcast3A_161, %shift_left3A_166 : vector<16xi32>
      %bitcast3A_168 = vector.bitcast %shift_left3A_167 : vector<16xi32> to vector<16xf32>
      %add3A_169 = arith.addf %add3A_146, %bitcast3A_168 : vector<16xf32>
      %scan3A_170 = arith.constant 2 : i32
      %mul3A_171 = arith.constant 16 : i32
      %mul3A_172 = arith.muli %mul3A_171, %scan3A_170 : i32
      %get3A_173 = arith.index_cast %add3A_117 : i32 to index
      %get3A_174 = arith.index_cast %mul3A_172 : i32 to index
      %get3A_175 = tpu.vector_load %arg7[%get3A_173, %get3A_174] {strides = array<i32>} : memref<256x100xi32, #tpu.memory_space<vmem>>, vector<16xi32>,
      %add3A_176 = vector.broadcast %mul3A_172 : i32 to vector<16xi32>
      %add3A_177 = arith.addi %add3A_176, %iota3A : vector<16xi32>
      %gather3A_178 = arith.constant 0 : i32
      %gather3A_179 = arith.constant 0 : i32
      %gather3A_180 = arith.constant 0 : i32
      %gather3A_181 = tpu.memref_slice %arg8[%gather3A_178, %gather3A_179, %gather3A_180] : memref<4x100x8xf32, #tpu.memory_space<vmem>> -> memref<1x100x8xf32, #tpu.memory_space<vmem>>
      %gather3A_182 = tpu.memref_squeeze %gather3A_181 : memref<1x100x8xf32, #tpu.memory_space<vmem>> -> memref<100x8xf32, #tpu.memory_space<vmem>>
      %gather3A_183 = tpu.vector_load_idx %gather3A_182[%add3A_177, %get3A_175] : memref<100x8xf32, #tpu.memory_space<vmem>>[vector<16xi32>, vector<16xi32>], vector<16xf32>,
      %bitcast3A_184 = vector.bitcast %gather3A_183 : vector<16xf32> to vector<16xi32>
      %and3A_185 = arith.andi %bitcast3A_184, %broadcast_in_dim3A_56 : vector<16xi32>
      %bitcast3A_186 = vector.bitcast %and3A_185 : vector<16xi32> to vector<16xf32>
      %add3A_187 = arith.addf %add3A_164, %bitcast3A_186 : vector<16xf32>
      %shift_left3A_188 = arith.constant 16 : i32
      %shift_left3A_189 = vector.broadcast %shift_left3A_188 : i32 to vector<16xi32>
      %shift_left3A_190 = arith.shli %bitcast3A_184, %shift_left3A_189 : vector<16xi32>
      %bitcast3A_191 = vector.bitcast %shift_left3A_190 : vector<16xi32> to vector<16xf32>
      %add3A_192 = arith.addf %add3A_169, %bitcast3A_191 : vector<16xf32>
      %scan3A_193 = arith.constant 3 : i32
      %mul3A_194 = arith.constant 16 : i32
      %mul3A_195 = arith.muli %mul3A_194, %scan3A_193 : i32
      %get3A_196 = arith.index_cast %add3A_117 : i32 to index
      %get3A_197 = arith.index_cast %mul3A_195 : i32 to index
      %get3A_198 = tpu.vector_load %arg7[%get3A_196, %get3A_197] {strides = array<i32>} : memref<256x100xi32, #tpu.memory_space<vmem>>, vector<16xi32>,
      %add3A_199 = vector.broadcast %mul3A_195 : i32 to vector<16xi32>
      %add3A_200 = arith.addi %add3A_199, %iota3A : vector<16xi32>
      %gather3A_201 = arith.constant 0 : i32
      %gather3A_202 = arith.constant 0 : i32
      %gather3A_203 = arith.constant 0 : i32
      %gather3A_204 = tpu.memref_slice %arg8[%gather3A_201, %gather3A_202, %gather3A_203] : memref<4x100x8xf32, #tpu.memory_space<vmem>> -> memref<1x100x8xf32, #tpu.memory_space<vmem>>
      %gather3A_205 = tpu.memref_squeeze %gather3A_204 : memref<1x100x8xf32, #tpu.memory_space<vmem>> -> memref<100x8xf32, #tpu.memory_space<vmem>>
      %gather3A_206 = tpu.vector_load_idx %gather3A_205[%add3A_200, %get3A_198] : memref<100x8xf32, #tpu.memory_space<vmem>>[vector<16xi32>, vector<16xi32>], vector<16xf32>,
      %bitcast3A_207 = vector.bitcast %gather3A_206 : vector<16xf32> to vector<16xi32>
      %and3A_208 = arith.andi %bitcast3A_207, %broadcast_in_dim3A_56 : vector<16xi32>
      %bitcast3A_209 = vector.bitcast %and3A_208 : vector<16xi32> to vector<16xf32>
      %add3A_210 = arith.addf %add3A_187, %bitcast3A_209 : vector<16xf32>
      %shift_left3A_211 = arith.constant 16 : i32
      %shift_left3A_212 = vector.broadcast %shift_left3A_211 : i32 to vector<16xi32>
      %shift_left3A_213 = arith.shli %bitcast3A_207, %shift_left3A_212 : vector<16xi32>
      %bitcast3A_214 = vector.bitcast %shift_left3A_213 : vector<16xi32> to vector<16xf32>
      %add3A_215 = arith.addf %add3A_192, %bitcast3A_214 : vector<16xf32>
      %scan3A_216 = arith.constant 4 : i32
      %mul3A_217 = arith.constant 16 : i32
      %mul3A_218 = arith.muli %mul3A_217, %scan3A_216 : i32
      %get3A_219 = arith.index_cast %add3A_117 : i32 to index
      %get3A_220 = arith.index_cast %mul3A_218 : i32 to index
      %get3A_221 = tpu.vector_load %arg7[%get3A_219, %get3A_220] {strides = array<i32>} : memref<256x100xi32, #tpu.memory_space<vmem>>, vector<16xi32>,
      %add3A_222 = vector.broadcast %mul3A_218 : i32 to vector<16xi32>
      %add3A_223 = arith.addi %add3A_222, %iota3A : vector<16xi32>
      %gather3A_224 = arith.constant 0 : i32
      %gather3A_225 = arith.constant 0 : i32
      %gather3A_226 = arith.constant 0 : i32
      %gather3A_227 = tpu.memref_slice %arg8[%gather3A_224, %gather3A_225, %gather3A_226] : memref<4x100x8xf32, #tpu.memory_space<vmem>> -> memref<1x100x8xf32, #tpu.memory_space<vmem>>
      %gather3A_228 = tpu.memref_squeeze %gather3A_227 : memref<1x100x8xf32, #tpu.memory_space<vmem>> -> memref<100x8xf32, #tpu.memory_space<vmem>>
      %gather3A_229 = tpu.vector_load_idx %gather3A_228[%add3A_223, %get3A_221] : memref<100x8xf32, #tpu.memory_space<vmem>>[vector<16xi32>, vector<16xi32>], vector<16xf32>,
      %bitcast3A_230 = vector.bitcast %gather3A_229 : vector<16xf32> to vector<16xi32>
      %and3A_231 = arith.andi %bitcast3A_230, %broadcast_in_dim3A_56 : vector<16xi32>
      %bitcast3A_232 = vector.bitcast %and3A_231 : vector<16xi32> to vector<16xf32>
      %add3A_233 = arith.addf %add3A_210, %bitcast3A_232 : vector<16xf32>
      %shift_left3A_234 = arith.constant 16 : i32
      %shift_left3A_235 = vector.broadcast %shift_left3A_234 : i32 to vector<16xi32>
      %shift_left3A_236 = arith.shli %bitcast3A_230, %shift_left3A_235 : vector<16xi32>
      %bitcast3A_237 = vector.bitcast %shift_left3A_236 : vector<16xi32> to vector<16xf32>
      %add3A_238 = arith.addf %add3A_215, %bitcast3A_237 : vector<16xf32>
      %scan3A_239 = arith.constant 5 : i32
      %mul3A_240 = arith.constant 16 : i32
      %mul3A_241 = arith.muli %mul3A_240, %scan3A_239 : i32
      %get3A_242 = arith.index_cast %add3A_117 : i32 to index
      %get3A_243 = arith.index_cast %mul3A_241 : i32 to index
      %get3A_244 = tpu.vector_load %arg7[%get3A_242, %get3A_243] {strides = array<i32>} : memref<256x100xi32, #tpu.memory_space<vmem>>, vector<16xi32>,
      %add3A_245 = vector.broadcast %mul3A_241 : i32 to vector<16xi32>
      %add3A_246 = arith.addi %add3A_245, %iota3A : vector<16xi32>
      %gather3A_247 = arith.constant 0 : i32
      %gather3A_248 = arith.constant 0 : i32
      %gather3A_249 = arith.constant 0 : i32
      %gather3A_250 = tpu.memref_slice %arg8[%gather3A_247, %gather3A_248, %gather3A_249] : memref<4x100x8xf32, #tpu.memory_space<vmem>> -> memref<1x100x8xf32, #tpu.memory_space<vmem>>
      %gather3A_251 = tpu.memref_squeeze %gather3A_250 : memref<1x100x8xf32, #tpu.memory_space<vmem>> -> memref<100x8xf32, #tpu.memory_space<vmem>>
      %gather3A_252 = tpu.vector_load_idx %gather3A_251[%add3A_246, %get3A_244] : memref<100x8xf32, #tpu.memory_space<vmem>>[vector<16xi32>, vector<16xi32>], vector<16xf32>,
      %bitcast3A_253 = vector.bitcast %gather3A_252 : vector<16xf32> to vector<16xi32>
      %and3A_254 = arith.andi %bitcast3A_253, %broadcast_in_dim3A_56 : vector<16xi32>
      %bitcast3A_255 = vector.bitcast %and3A_254 : vector<16xi32> to vector<16xf32>
      %add3A_256 = arith.addf %add3A_233, %bitcast3A_255 : vector<16xf32>
      %shift_left3A_257 = arith.constant 16 : i32
      %shift_left3A_258 = vector.broadcast %shift_left3A_257 : i32 to vector<16xi32>
      %shift_left3A_259 = arith.shli %bitcast3A_253, %shift_left3A_258 : vector<16xi32>
      %bitcast3A_260 = vector.bitcast %shift_left3A_259 : vector<16xi32> to vector<16xf32>
      %add3A_261 = arith.addf %add3A_238, %bitcast3A_260 : vector<16xf32>
      %scan3A_262 = arith.constant 6 : i32
      %get3A_263 = arith.index_cast %add3A_117 : i32 to index
      %get3A_264 = arith.constant 84 : index
      %get3A_265 = tpu.vector_load %arg7[%get3A_263, %get3A_264] {strides = array<i32>} : memref<256x100xi32, #tpu.memory_space<vmem>>, vector<16xi32>,
      %add3A_266 = arith.constant 84 : i32
      %add3A_267 = vector.broadcast %add3A_266 : i32 to vector<16xi32>
      %add3A_268 = arith.addi %add3A_267, %iota3A : vector<16xi32>
      %gather3A_269 = arith.constant 0 : i32
      %gather3A_270 = arith.constant 0 : i32
      %gather3A_271 = arith.constant 0 : i32
      %gather3A_272 = tpu.memref_slice %arg8[%gather3A_269, %gather3A_270, %gather3A_271] : memref<4x100x8xf32, #tpu.memory_space<vmem>> -> memref<1x100x8xf32, #tpu.memory_space<vmem>>
      %gather3A_273 = tpu.memref_squeeze %gather3A_272 : memref<1x100x8xf32, #tpu.memory_space<vmem>> -> memref<100x8xf32, #tpu.memory_space<vmem>>
      %gather3A_274 = tpu.vector_load_idx %gather3A_273[%add3A_268, %get3A_265] masked %ge3A_58 : memref<100x8xf32, #tpu.memory_space<vmem>>[vector<16xi32>, vector<16xi32>], vector<16xf32>, vector<16xi1>
      %bitcast3A_275 = vector.bitcast %gather3A_274 : vector<16xf32> to vector<16xi32>
      %jit3A = arith.constant 0 : i32
      %broadcast_in_dim3A_276 = vector.broadcast %jit3A : i32 to vector<16xi32>
      %select_n3A = arith.select %ge3A_58, %bitcast3A_275, %broadcast_in_dim3A_276 : vector<16xi1>, vector<16xi32>
      %and3A_277 = arith.andi %select_n3A, %broadcast_in_dim3A_56 : vector<16xi32>
      %bitcast3A_278 = vector.bitcast %and3A_277 : vector<16xi32> to vector<16xf32>
      %add3A_279 = arith.addf %add3A_256, %bitcast3A_278 : vector<16xf32>
      %shift_left3A_280 = arith.constant 16 : i32
      %shift_left3A_281 = vector.broadcast %shift_left3A_280 : i32 to vector<16xi32>
      %shift_left3A_282 = arith.shli %select_n3A, %shift_left3A_281 : vector<16xi32>
      %bitcast3A_283 = vector.bitcast %shift_left3A_282 : vector<16xi32> to vector<16xf32>
      %add3A_284 = arith.addf %add3A_261, %bitcast3A_283 : vector<16xf32>
      %add3A_285 = arith.constant 4 : i32
      %add3A_286 = arith.addi %add3A_117, %add3A_285 : i32
      %min3A = arith.constant 255 : i32
      %min3A_287 = arith.minsi %add3A_286, %min3A : i32
      %dma_start3A_288 = arith.constant 0 : i32
      %dma_start3A_289 = arith.constant 0 : i32
      %dma_start3A_290 = arith.constant 0 : i32
      %dma_start3A_291 = tpu.memref_slice %arg8[%dma_start3A_288, %dma_start3A_289, %dma_start3A_290] : memref<4x100x8xf32, #tpu.memory_space<vmem>> -> memref<1x100x8xf32, #tpu.memory_space<vmem>>
      %dma_start3A_292 = tpu.memref_squeeze %dma_start3A_291 : memref<1x100x8xf32, #tpu.memory_space<vmem>> -> memref<100x8xf32, #tpu.memory_space<vmem>>
      %dma_start3A_293 = arith.constant 0 : i32
      %dma_start3A_294 = tpu.memref_slice %arg6[%min3A_287, %dma_start3A_293] : memref<256x100xi32, #tpu.memory_space<vmem>> -> memref<1x100xi32, #tpu.memory_space<vmem>>
      %dma_start3A_295 = tpu.memref_squeeze %dma_start3A_294 : memref<1x100xi32, #tpu.memory_space<vmem>> -> memref<100xi32, #tpu.memory_space<vmem>>
      %dma_start3A_296 = arith.constant 0 : i32
      %dma_start3A_297 = arith.constant 0 : i32
      %dma_start3A_298 = tpu.memref_slice %arg4[%dma_start3A_296, %dma_start3A_297] : memref<125000x8xf32, #tpu.memory_space<hbm>> -> memref<125000x8xf32, #tpu.memory_space<hbm>>
      tpu.enqueue_indirect_dma source(%dma_start3A_298 : memref<125000x8xf32, #tpu.memory_space<hbm>>) target(%dma_start3A_292 : memref<100x8xf32, #tpu.memory_space<vmem>>) offsets(%dma_start3A_295 : memref<100xi32, #tpu.memory_space<vmem>>) semaphore(%arg10 : memref<!tpu.dma_semaphore, #tpu.memory_space<semaphore_mem>>)
      %add3A_299 = arith.constant 1 : i32
      %add3A_300 = arith.addi %mul3A_115, %add3A_299 : i32
      %dma_wait3A_301 = arith.constant 1 : i32
      %dma_wait3A_302 = arith.constant 0 : i32
      %dma_wait3A_303 = arith.constant 0 : i32
      %dma_wait3A_304 = tpu.memref_slice %arg8[%dma_wait3A_301, %dma_wait3A_302, %dma_wait3A_303] : memref<4x100x8xf32, #tpu.memory_space<vmem>> -> memref<1x100x8xf32, #tpu.memory_space<vmem>>
      %dma_wait3A_305 = tpu.memref_squeeze %dma_wait3A_304 : memref<1x100x8xf32, #tpu.memory_space<vmem>> -> memref<100x8xf32, #tpu.memory_space<vmem>>
      %dma_wait3A_306 = arith.constant 0 : i32
      %dma_wait3A_307 = tpu.memref_slice %arg6[%add3A_300, %dma_wait3A_306] : memref<256x100xi32, #tpu.memory_space<vmem>> -> memref<1x100xi32, #tpu.memory_space<vmem>>
      %dma_wait3A_308 = tpu.memref_squeeze %dma_wait3A_307 : memref<1x100xi32, #tpu.memory_space<vmem>> -> memref<100xi32, #tpu.memory_space<vmem>>
      %dma_wait3A_309 = arith.constant 0 : i32
      %dma_wait3A_310 = arith.constant 0 : i32
      %dma_wait3A_311 = tpu.memref_slice %arg4[%dma_wait3A_309, %dma_wait3A_310] : memref<125000x8xf32, #tpu.memory_space<hbm>> -> memref<125000x8xf32, #tpu.memory_space<hbm>>
      tpu.wait_indirect_dma semaphore(%arg11 : memref<!tpu.dma_semaphore, #tpu.memory_space<semaphore_mem>>) src(%dma_wait3A_311 : memref<125000x8xf32, #tpu.memory_space<hbm>>) dst(%dma_wait3A_305 : memref<100x8xf32, #tpu.memory_space<vmem>>)
      %scan3A_312 = arith.constant 0 : i32
      %mul3A_313 = arith.constant 16 : i32
      %mul3A_314 = arith.muli %mul3A_313, %scan3A_312 : i32
      %get3A_315 = arith.index_cast %add3A_300 : i32 to index
      %get3A_316 = arith.index_cast %mul3A_314 : i32 to index
      %get3A_317 = tpu.vector_load %arg7[%get3A_315, %get3A_316] {strides = array<i32>} : memref<256x100xi32, #tpu.memory_space<vmem>>, vector<16xi32>,
      %add3A_318 = vector.broadcast %mul3A_314 : i32 to vector<16xi32>
      %add3A_319 = arith.addi %add3A_318, %iota3A : vector<16xi32>
      %gather3A_320 = arith.constant 1 : i32
      %gather3A_321 = arith.constant 0 : i32
      %gather3A_322 = arith.constant 0 : i32
      %gather3A_323 = tpu.memref_slice %arg8[%gather3A_320, %gather3A_321, %gather3A_322] : memref<4x100x8xf32, #tpu.memory_space<vmem>> -> memref<1x100x8xf32, #tpu.memory_space<vmem>>
      %gather3A_324 = tpu.memref_squeeze %gather3A_323 : memref<1x100x8xf32, #tpu.memory_space<vmem>> -> memref<100x8xf32, #tpu.memory_space<vmem>>
      %gather3A_325 = tpu.vector_load_idx %gather3A_324[%add3A_319, %get3A_317] : memref<100x8xf32, #tpu.memory_space<vmem>>[vector<16xi32>, vector<16xi32>], vector<16xf32>,
      %bitcast3A_326 = vector.bitcast %gather3A_325 : vector<16xf32> to vector<16xi32>
      %and3A_327 = arith.andi %bitcast3A_326, %broadcast_in_dim3A_56 : vector<16xi32>
      %bitcast3A_328 = vector.bitcast %and3A_327 : vector<16xi32> to vector<16xf32>
      %add3A_329 = arith.addf %add3A_279, %bitcast3A_328 : vector<16xf32>
      %shift_left3A_330 = arith.constant 16 : i32
      %shift_left3A_331 = vector.broadcast %shift_left3A_330 : i32 to vector<16xi32>
      %shift_left3A_332 = arith.shli %bitcast3A_326, %shift_left3A_331 : vector<16xi32>
      %bitcast3A_333 = vector.bitcast %shift_left3A_332 : vector<16xi32> to vector<16xf32>
      %add3A_334 = arith.addf %add3A_284, %bitcast3A_333 : vector<16xf32>
      %scan3A_335 = arith.constant 1 : i32
      %mul3A_336 = arith.constant 16 : i32
      %mul3A_337 = arith.muli %mul3A_336, %scan3A_335 : i32
      %get3A_338 = arith.index_cast %add3A_300 : i32 to index
      %get3A_339 = arith.index_cast %mul3A_337 : i32 to index
      %get3A_340 = tpu.vector_load %arg7[%get3A_338, %get3A_339] {strides = array<i32>} : memref<256x100xi32, #tpu.memory_space<vmem>>, vector<16xi32>,
      %add3A_341 = vector.broadcast %mul3A_337 : i32 to vector<16xi32>
      %add3A_342 = arith.addi %add3A_341, %iota3A : vector<16xi32>
      %gather3A_343 = arith.constant 1 : i32
      %gather3A_344 = arith.constant 0 : i32
      %gather3A_345 = arith.constant 0 : i32
      %gather3A_346 = tpu.memref_slice %arg8[%gather3A_343, %gather3A_344, %gather3A_345] : memref<4x100x8xf32, #tpu.memory_space<vmem>> -> memref<1x100x8xf32, #tpu.memory_space<vmem>>
      %gather3A_347 = tpu.memref_squeeze %gather3A_346 : memref<1x100x8xf32, #tpu.memory_space<vmem>> -> memref<100x8xf32, #tpu.memory_space<vmem>>
      %gather3A_348 = tpu.vector_load_idx %gather3A_347[%add3A_342, %get3A_340] : memref<100x8xf32, #tpu.memory_space<vmem>>[vector<16xi32>, vector<16xi32>], vector<16xf32>,
      %bitcast3A_349 = vector.bitcast %gather3A_348 : vector<16xf32> to vector<16xi32>
      %and3A_350 = arith.andi %bitcast3A_349, %broadcast_in_dim3A_56 : vector<16xi32>
      %bitcast3A_351 = vector.bitcast %and3A_350 : vector<16xi32> to vector<16xf32>
      %add3A_352 = arith.addf %add3A_329, %bitcast3A_351 : vector<16xf32>
      %shift_left3A_353 = arith.constant 16 : i32
      %shift_left3A_354 = vector.broadcast %shift_left3A_353 : i32 to vector<16xi32>
      %shift_left3A_355 = arith.shli %bitcast3A_349, %shift_left3A_354 : vector<16xi32>
      %bitcast3A_356 = vector.bitcast %shift_left3A_355 : vector<16xi32> to vector<16xf32>
      %add3A_357 = arith.addf %add3A_334, %bitcast3A_356 : vector<16xf32>
      %scan3A_358 = arith.constant 2 : i32
      %mul3A_359 = arith.constant 16 : i32
      %mul3A_360 = arith.muli %mul3A_359, %scan3A_358 : i32
      %get3A_361 = arith.index_cast %add3A_300 : i32 to index
      %get3A_362 = arith.index_cast %mul3A_360 : i32 to index
      %get3A_363 = tpu.vector_load %arg7[%get3A_361, %get3A_362] {strides = array<i32>} : memref<256x100xi32, #tpu.memory_space<vmem>>, vector<16xi32>,
      %add3A_364 = vector.broadcast %mul3A_360 : i32 to vector<16xi32>
      %add3A_365 = arith.addi %add3A_364, %iota3A : vector<16xi32>
      %gather3A_366 = arith.constant 1 : i32
      %gather3A_367 = arith.constant 0 : i32
      %gather3A_368 = arith.constant 0 : i32
      %gather3A_369 = tpu.memref_slice %arg8[%gather3A_366, %gather3A_367, %gather3A_368] : memref<4x100x8xf32, #tpu.memory_space<vmem>> -> memref<1x100x8xf32, #tpu.memory_space<vmem>>
      %gather3A_370 = tpu.memref_squeeze %gather3A_369 : memref<1x100x8xf32, #tpu.memory_space<vmem>> -> memref<100x8xf32, #tpu.memory_space<vmem>>
      %gather3A_371 = tpu.vector_load_idx %gather3A_370[%add3A_365, %get3A_363] : memref<100x8xf32, #tpu.memory_space<vmem>>[vector<16xi32>, vector<16xi32>], vector<16xf32>,
      %bitcast3A_372 = vector.bitcast %gather3A_371 : vector<16xf32> to vector<16xi32>
      %and3A_373 = arith.andi %bitcast3A_372, %broadcast_in_dim3A_56 : vector<16xi32>
      %bitcast3A_374 = vector.bitcast %and3A_373 : vector<16xi32> to vector<16xf32>
      %add3A_375 = arith.addf %add3A_352, %bitcast3A_374 : vector<16xf32>
      %shift_left3A_376 = arith.constant 16 : i32
      %shift_left3A_377 = vector.broadcast %shift_left3A_376 : i32 to vector<16xi32>
      %shift_left3A_378 = arith.shli %bitcast3A_372, %shift_left3A_377 : vector<16xi32>
      %bitcast3A_379 = vector.bitcast %shift_left3A_378 : vector<16xi32> to vector<16xf32>
      %add3A_380 = arith.addf %add3A_357, %bitcast3A_379 : vector<16xf32>
      %scan3A_381 = arith.constant 3 : i32
      %mul3A_382 = arith.constant 16 : i32
      %mul3A_383 = arith.muli %mul3A_382, %scan3A_381 : i32
      %get3A_384 = arith.index_cast %add3A_300 : i32 to index
      %get3A_385 = arith.index_cast %mul3A_383 : i32 to index
      %get3A_386 = tpu.vector_load %arg7[%get3A_384, %get3A_385] {strides = array<i32>} : memref<256x100xi32, #tpu.memory_space<vmem>>, vector<16xi32>,
      %add3A_387 = vector.broadcast %mul3A_383 : i32 to vector<16xi32>
      %add3A_388 = arith.addi %add3A_387, %iota3A : vector<16xi32>
      %gather3A_389 = arith.constant 1 : i32
      %gather3A_390 = arith.constant 0 : i32
      %gather3A_391 = arith.constant 0 : i32
      %gather3A_392 = tpu.memref_slice %arg8[%gather3A_389, %gather3A_390, %gather3A_391] : memref<4x100x8xf32, #tpu.memory_space<vmem>> -> memref<1x100x8xf32, #tpu.memory_space<vmem>>
      %gather3A_393 = tpu.memref_squeeze %gather3A_392 : memref<1x100x8xf32, #tpu.memory_space<vmem>> -> memref<100x8xf32, #tpu.memory_space<vmem>>
      %gather3A_394 = tpu.vector_load_idx %gather3A_393[%add3A_388, %get3A_386] : memref<100x8xf32, #tpu.memory_space<vmem>>[vector<16xi32>, vector<16xi32>], vector<16xf32>,
      %bitcast3A_395 = vector.bitcast %gather3A_394 : vector<16xf32> to vector<16xi32>
      %and3A_396 = arith.andi %bitcast3A_395, %broadcast_in_dim3A_56 : vector<16xi32>
      %bitcast3A_397 = vector.bitcast %and3A_396 : vector<16xi32> to vector<16xf32>
      %add3A_398 = arith.addf %add3A_375, %bitcast3A_397 : vector<16xf32>
      %shift_left3A_399 = arith.constant 16 : i32
      %shift_left3A_400 = vector.broadcast %shift_left3A_399 : i32 to vector<16xi32>
      %shift_left3A_401 = arith.shli %bitcast3A_395, %shift_left3A_400 : vector<16xi32>
      %bitcast3A_402 = vector.bitcast %shift_left3A_401 : vector<16xi32> to vector<16xf32>
      %add3A_403 = arith.addf %add3A_380, %bitcast3A_402 : vector<16xf32>
      %scan3A_404 = arith.constant 4 : i32
      %mul3A_405 = arith.constant 16 : i32
      %mul3A_406 = arith.muli %mul3A_405, %scan3A_404 : i32
      %get3A_407 = arith.index_cast %add3A_300 : i32 to index
      %get3A_408 = arith.index_cast %mul3A_406 : i32 to index
      %get3A_409 = tpu.vector_load %arg7[%get3A_407, %get3A_408] {strides = array<i32>} : memref<256x100xi32, #tpu.memory_space<vmem>>, vector<16xi32>,
      %add3A_410 = vector.broadcast %mul3A_406 : i32 to vector<16xi32>
      %add3A_411 = arith.addi %add3A_410, %iota3A : vector<16xi32>
      %gather3A_412 = arith.constant 1 : i32
      %gather3A_413 = arith.constant 0 : i32
      %gather3A_414 = arith.constant 0 : i32
      %gather3A_415 = tpu.memref_slice %arg8[%gather3A_412, %gather3A_413, %gather3A_414] : memref<4x100x8xf32, #tpu.memory_space<vmem>> -> memref<1x100x8xf32, #tpu.memory_space<vmem>>
      %gather3A_416 = tpu.memref_squeeze %gather3A_415 : memref<1x100x8xf32, #tpu.memory_space<vmem>> -> memref<100x8xf32, #tpu.memory_space<vmem>>
      %gather3A_417 = tpu.vector_load_idx %gather3A_416[%add3A_411, %get3A_409] : memref<100x8xf32, #tpu.memory_space<vmem>>[vector<16xi32>, vector<16xi32>], vector<16xf32>,
      %bitcast3A_418 = vector.bitcast %gather3A_417 : vector<16xf32> to vector<16xi32>
      %and3A_419 = arith.andi %bitcast3A_418, %broadcast_in_dim3A_56 : vector<16xi32>
      %bitcast3A_420 = vector.bitcast %and3A_419 : vector<16xi32> to vector<16xf32>
      %add3A_421 = arith.addf %add3A_398, %bitcast3A_420 : vector<16xf32>
      %shift_left3A_422 = arith.constant 16 : i32
      %shift_left3A_423 = vector.broadcast %shift_left3A_422 : i32 to vector<16xi32>
      %shift_left3A_424 = arith.shli %bitcast3A_418, %shift_left3A_423 : vector<16xi32>
      %bitcast3A_425 = vector.bitcast %shift_left3A_424 : vector<16xi32> to vector<16xf32>
      %add3A_426 = arith.addf %add3A_403, %bitcast3A_425 : vector<16xf32>
      %scan3A_427 = arith.constant 5 : i32
      %mul3A_428 = arith.constant 16 : i32
      %mul3A_429 = arith.muli %mul3A_428, %scan3A_427 : i32
      %get3A_430 = arith.index_cast %add3A_300 : i32 to index
      %get3A_431 = arith.index_cast %mul3A_429 : i32 to index
      %get3A_432 = tpu.vector_load %arg7[%get3A_430, %get3A_431] {strides = array<i32>} : memref<256x100xi32, #tpu.memory_space<vmem>>, vector<16xi32>,
      %add3A_433 = vector.broadcast %mul3A_429 : i32 to vector<16xi32>
      %add3A_434 = arith.addi %add3A_433, %iota3A : vector<16xi32>
      %gather3A_435 = arith.constant 1 : i32
      %gather3A_436 = arith.constant 0 : i32
      %gather3A_437 = arith.constant 0 : i32
      %gather3A_438 = tpu.memref_slice %arg8[%gather3A_435, %gather3A_436, %gather3A_437] : memref<4x100x8xf32, #tpu.memory_space<vmem>> -> memref<1x100x8xf32, #tpu.memory_space<vmem>>
      %gather3A_439 = tpu.memref_squeeze %gather3A_438 : memref<1x100x8xf32, #tpu.memory_space<vmem>> -> memref<100x8xf32, #tpu.memory_space<vmem>>
      %gather3A_440 = tpu.vector_load_idx %gather3A_439[%add3A_434, %get3A_432] : memref<100x8xf32, #tpu.memory_space<vmem>>[vector<16xi32>, vector<16xi32>], vector<16xf32>,
      %bitcast3A_441 = vector.bitcast %gather3A_440 : vector<16xf32> to vector<16xi32>
      %and3A_442 = arith.andi %bitcast3A_441, %broadcast_in_dim3A_56 : vector<16xi32>
      %bitcast3A_443 = vector.bitcast %and3A_442 : vector<16xi32> to vector<16xf32>
      %add3A_444 = arith.addf %add3A_421, %bitcast3A_443 : vector<16xf32>
      %shift_left3A_445 = arith.constant 16 : i32
      %shift_left3A_446 = vector.broadcast %shift_left3A_445 : i32 to vector<16xi32>
      %shift_left3A_447 = arith.shli %bitcast3A_441, %shift_left3A_446 : vector<16xi32>
      %bitcast3A_448 = vector.bitcast %shift_left3A_447 : vector<16xi32> to vector<16xf32>
      %add3A_449 = arith.addf %add3A_426, %bitcast3A_448 : vector<16xf32>
      %scan3A_450 = arith.constant 6 : i32
      %get3A_451 = arith.index_cast %add3A_300 : i32 to index
      %get3A_452 = arith.constant 84 : index
      %get3A_453 = tpu.vector_load %arg7[%get3A_451, %get3A_452] {strides = array<i32>} : memref<256x100xi32, #tpu.memory_space<vmem>>, vector<16xi32>,
      %add3A_454 = arith.constant 84 : i32
      %add3A_455 = vector.broadcast %add3A_454 : i32 to vector<16xi32>
      %add3A_456 = arith.addi %add3A_455, %iota3A : vector<16xi32>
      %gather3A_457 = arith.constant 1 : i32
      %gather3A_458 = arith.constant 0 : i32
      %gather3A_459 = arith.constant 0 : i32
      %gather3A_460 = tpu.memref_slice %arg8[%gather3A_457, %gather3A_458, %gather3A_459] : memref<4x100x8xf32, #tpu.memory_space<vmem>> -> memref<1x100x8xf32, #tpu.memory_space<vmem>>
      %gather3A_461 = tpu.memref_squeeze %gather3A_460 : memref<1x100x8xf32, #tpu.memory_space<vmem>> -> memref<100x8xf32, #tpu.memory_space<vmem>>
      %gather3A_462 = tpu.vector_load_idx %gather3A_461[%add3A_456, %get3A_453] masked %ge3A_58 : memref<100x8xf32, #tpu.memory_space<vmem>>[vector<16xi32>, vector<16xi32>], vector<16xf32>, vector<16xi1>
      %bitcast3A_463 = vector.bitcast %gather3A_462 : vector<16xf32> to vector<16xi32>
      %jit3A_464 = arith.constant 0 : i32
      %broadcast_in_dim3A_465 = vector.broadcast %jit3A_464 : i32 to vector<16xi32>
      %select_n3A_466 = arith.select %ge3A_58, %bitcast3A_463, %broadcast_in_dim3A_465 : vector<16xi1>, vector<16xi32>
      %and3A_467 = arith.andi %select_n3A_466, %broadcast_in_dim3A_56 : vector<16xi32>
      %bitcast3A_468 = vector.bitcast %and3A_467 : vector<16xi32> to vector<16xf32>
      %add3A_469 = arith.addf %add3A_444, %bitcast3A_468 : vector<16xf32>
      %shift_left3A_470 = arith.constant 16 : i32
      %shift_left3A_471 = vector.broadcast %shift_left3A_470 : i32 to vector<16xi32>
      %shift_left3A_472 = arith.shli %select_n3A_466, %shift_left3A_471 : vector<16xi32>
      %bitcast3A_473 = vector.bitcast %shift_left3A_472 : vector<16xi32> to vector<16xf32>
      %add3A_474 = arith.addf %add3A_449, %bitcast3A_473 : vector<16xf32>
      %add3A_475 = arith.constant 4 : i32
      %add3A_476 = arith.addi %add3A_300, %add3A_475 : i32
      %min3A_477 = arith.constant 255 : i32
      %min3A_478 = arith.minsi %add3A_476, %min3A_477 : i32
      %dma_start3A_479 = arith.constant 1 : i32
      %dma_start3A_480 = arith.constant 0 : i32
      %dma_start3A_481 = arith.constant 0 : i32
      %dma_start3A_482 = tpu.memref_slice %arg8[%dma_start3A_479, %dma_start3A_480, %dma_start3A_481] : memref<4x100x8xf32, #tpu.memory_space<vmem>> -> memref<1x100x8xf32, #tpu.memory_space<vmem>>
      %dma_start3A_483 = tpu.memref_squeeze %dma_start3A_482 : memref<1x100x8xf32, #tpu.memory_space<vmem>> -> memref<100x8xf32, #tpu.memory_space<vmem>>
      %dma_start3A_484 = arith.constant 0 : i32
      %dma_start3A_485 = tpu.memref_slice %arg6[%min3A_478, %dma_start3A_484] : memref<256x100xi32, #tpu.memory_space<vmem>> -> memref<1x100xi32, #tpu.memory_space<vmem>>
      %dma_start3A_486 = tpu.memref_squeeze %dma_start3A_485 : memref<1x100xi32, #tpu.memory_space<vmem>> -> memref<100xi32, #tpu.memory_space<vmem>>
      %dma_start3A_487 = arith.constant 0 : i32
      %dma_start3A_488 = arith.constant 0 : i32
      %dma_start3A_489 = tpu.memref_slice %arg4[%dma_start3A_487, %dma_start3A_488] : memref<125000x8xf32, #tpu.memory_space<hbm>> -> memref<125000x8xf32, #tpu.memory_space<hbm>>
      tpu.enqueue_indirect_dma source(%dma_start3A_489 : memref<125000x8xf32, #tpu.memory_space<hbm>>) target(%dma_start3A_483 : memref<100x8xf32, #tpu.memory_space<vmem>>) offsets(%dma_start3A_486 : memref<100xi32, #tpu.memory_space<vmem>>) semaphore(%arg11 : memref<!tpu.dma_semaphore, #tpu.memory_space<semaphore_mem>>)
      %mul3A_490 = arith.constant 2 : i32
      %mul3A_491 = arith.muli %mul3A_490, %scan3A_112 : i32
      %add3A_492 = arith.constant 0 : i32
      %add3A_493 = arith.addi %mul3A_491, %add3A_492 : i32
      %swap3A = arith.index_cast %add3A_493 : i32 to index
      %swap3A_494 = arith.constant 0 : index
      %swap3A_495 = tpu.vector_load %arg9[%swap3A, %swap3A_494] {strides = array<i32>} : memref<128x32xf32, #tpu.memory_space<vmem>>, vector<16xf32>,
      tpu.vector_store %arg9[%swap3A, %swap3A_494], %add3A_469 {strides = array<i32>} : memref<128x32xf32, #tpu.memory_space<vmem>>, vector<16xf32>,
      %mul3A_496 = arith.constant 2 : i32
      %mul3A_497 = arith.muli %mul3A_496, %scan3A_112 : i32
      %add3A_498 = arith.constant 0 : i32
      %add3A_499 = arith.addi %mul3A_497, %add3A_498 : i32
      %swap3A_500 = arith.index_cast %add3A_499 : i32 to index
      %swap3A_501 = arith.constant 16 : index
      %swap3A_502 = tpu.vector_load %arg9[%swap3A_500, %swap3A_501] {strides = array<i32>} : memref<128x32xf32, #tpu.memory_space<vmem>>, vector<16xf32>,
      tpu.vector_store %arg9[%swap3A_500, %swap3A_501], %add3A_474 {strides = array<i32>} : memref<128x32xf32, #tpu.memory_space<vmem>>, vector<16xf32>,
      %add3A_503 = arith.constant 2 : i32
      %add3A_504 = arith.addi %mul3A_115, %add3A_503 : i32
      %dma_wait3A_505 = arith.constant 2 : i32
      %dma_wait3A_506 = arith.constant 0 : i32
      %dma_wait3A_507 = arith.constant 0 : i32
      %dma_wait3A_508 = tpu.memref_slice %arg8[%dma_wait3A_505, %dma_wait3A_506, %dma_wait3A_507] : memref<4x100x8xf32, #tpu.memory_space<vmem>> -> memref<1x100x8xf32, #tpu.memory_space<vmem>>
      %dma_wait3A_509 = tpu.memref_squeeze %dma_wait3A_508 : memref<1x100x8xf32, #tpu.memory_space<vmem>> -> memref<100x8xf32, #tpu.memory_space<vmem>>
      %dma_wait3A_510 = arith.constant 0 : i32
      %dma_wait3A_511 = tpu.memref_slice %arg6[%add3A_504, %dma_wait3A_510] : memref<256x100xi32, #tpu.memory_space<vmem>> -> memref<1x100xi32, #tpu.memory_space<vmem>>
      %dma_wait3A_512 = tpu.memref_squeeze %dma_wait3A_511 : memref<1x100xi32, #tpu.memory_space<vmem>> -> memref<100xi32, #tpu.memory_space<vmem>>
      %dma_wait3A_513 = arith.constant 0 : i32
      %dma_wait3A_514 = arith.constant 0 : i32
      %dma_wait3A_515 = tpu.memref_slice %arg4[%dma_wait3A_513, %dma_wait3A_514] : memref<125000x8xf32, #tpu.memory_space<hbm>> -> memref<125000x8xf32, #tpu.memory_space<hbm>>
      tpu.wait_indirect_dma semaphore(%arg12 : memref<!tpu.dma_semaphore, #tpu.memory_space<semaphore_mem>>) src(%dma_wait3A_515 : memref<125000x8xf32, #tpu.memory_space<hbm>>) dst(%dma_wait3A_509 : memref<100x8xf32, #tpu.memory_space<vmem>>)
      %scan3A_516 = arith.constant 0 : i32
      %mul3A_517 = arith.constant 16 : i32
      %mul3A_518 = arith.muli %mul3A_517, %scan3A_516 : i32
      %get3A_519 = arith.index_cast %add3A_504 : i32 to index
      %get3A_520 = arith.index_cast %mul3A_518 : i32 to index
      %get3A_521 = tpu.vector_load %arg7[%get3A_519, %get3A_520] {strides = array<i32>} : memref<256x100xi32, #tpu.memory_space<vmem>>, vector<16xi32>,
      %add3A_522 = vector.broadcast %mul3A_518 : i32 to vector<16xi32>
      %add3A_523 = arith.addi %add3A_522, %iota3A : vector<16xi32>
      %gather3A_524 = arith.constant 2 : i32
      %gather3A_525 = arith.constant 0 : i32
      %gather3A_526 = arith.constant 0 : i32
      %gather3A_527 = tpu.memref_slice %arg8[%gather3A_524, %gather3A_525, %gather3A_526] : memref<4x100x8xf32, #tpu.memory_space<vmem>> -> memref<1x100x8xf32, #tpu.memory_space<vmem>>
      %gather3A_528 = tpu.memref_squeeze %gather3A_527 : memref<1x100x8xf32, #tpu.memory_space<vmem>> -> memref<100x8xf32, #tpu.memory_space<vmem>>
      %gather3A_529 = tpu.vector_load_idx %gather3A_528[%add3A_523, %get3A_521] : memref<100x8xf32, #tpu.memory_space<vmem>>[vector<16xi32>, vector<16xi32>], vector<16xf32>,
      %bitcast3A_530 = vector.bitcast %gather3A_529 : vector<16xf32> to vector<16xi32>
      %and3A_531 = arith.andi %bitcast3A_530, %broadcast_in_dim3A_56 : vector<16xi32>
      %bitcast3A_532 = vector.bitcast %and3A_531 : vector<16xi32> to vector<16xf32>
      %add3A_533 = arith.addf %broadcast_in_dim3A_7, %bitcast3A_532 : vector<16xf32>
      %shift_left3A_534 = arith.constant 16 : i32
      %shift_left3A_535 = vector.broadcast %shift_left3A_534 : i32 to vector<16xi32>
      %shift_left3A_536 = arith.shli %bitcast3A_530, %shift_left3A_535 : vector<16xi32>
      %bitcast3A_537 = vector.bitcast %shift_left3A_536 : vector<16xi32> to vector<16xf32>
      %add3A_538 = arith.addf %broadcast_in_dim3A_7, %bitcast3A_537 : vector<16xf32>
      %scan3A_539 = arith.constant 1 : i32
      %mul3A_540 = arith.constant 16 : i32
      %mul3A_541 = arith.muli %mul3A_540, %scan3A_539 : i32
      %get3A_542 = arith.index_cast %add3A_504 : i32 to index
      %get3A_543 = arith.index_cast %mul3A_541 : i32 to index
      %get3A_544 = tpu.vector_load %arg7[%get3A_542, %get3A_543] {strides = array<i32>} : memref<256x100xi32, #tpu.memory_space<vmem>>, vector<16xi32>,
      %add3A_545 = vector.broadcast %mul3A_541 : i32 to vector<16xi32>
      %add3A_546 = arith.addi %add3A_545, %iota3A : vector<16xi32>
      %gather3A_547 = arith.constant 2 : i32
      %gather3A_548 = arith.constant 0 : i32
      %gather3A_549 = arith.constant 0 : i32
      %gather3A_550 = tpu.memref_slice %arg8[%gather3A_547, %gather3A_548, %gather3A_549] : memref<4x100x8xf32, #tpu.memory_space<vmem>> -> memref<1x100x8xf32, #tpu.memory_space<vmem>>
      %gather3A_551 = tpu.memref_squeeze %gather3A_550 : memref<1x100x8xf32, #tpu.memory_space<vmem>> -> memref<100x8xf32, #tpu.memory_space<vmem>>
      %gather3A_552 = tpu.vector_load_idx %gather3A_551[%add3A_546, %get3A_544] : memref<100x8xf32, #tpu.memory_space<vmem>>[vector<16xi32>, vector<16xi32>], vector<16xf32>,
      %bitcast3A_553 = vector.bitcast %gather3A_552 : vector<16xf32> to vector<16xi32>
      %and3A_554 = arith.andi %bitcast3A_553, %broadcast_in_dim3A_56 : vector<16xi32>
      %bitcast3A_555 = vector.bitcast %and3A_554 : vector<16xi32> to vector<16xf32>
      %add3A_556 = arith.addf %add3A_533, %bitcast3A_555 : vector<16xf32>
      %shift_left3A_557 = arith.constant 16 : i32
      %shift_left3A_558 = vector.broadcast %shift_left3A_557 : i32 to vector<16xi32>
      %shift_left3A_559 = arith.shli %bitcast3A_553, %shift_left3A_558 : vector<16xi32>
      %bitcast3A_560 = vector.bitcast %shift_left3A_559 : vector<16xi32> to vector<16xf32>
      %add3A_561 = arith.addf %add3A_538, %bitcast3A_560 : vector<16xf32>
      %scan3A_562 = arith.constant 2 : i32
      %mul3A_563 = arith.constant 16 : i32
      %mul3A_564 = arith.muli %mul3A_563, %scan3A_562 : i32
      %get3A_565 = arith.index_cast %add3A_504 : i32 to index
      %get3A_566 = arith.index_cast %mul3A_564 : i32 to index
      %get3A_567 = tpu.vector_load %arg7[%get3A_565, %get3A_566] {strides = array<i32>} : memref<256x100xi32, #tpu.memory_space<vmem>>, vector<16xi32>,
      %add3A_568 = vector.broadcast %mul3A_564 : i32 to vector<16xi32>
      %add3A_569 = arith.addi %add3A_568, %iota3A : vector<16xi32>
      %gather3A_570 = arith.constant 2 : i32
      %gather3A_571 = arith.constant 0 : i32
      %gather3A_572 = arith.constant 0 : i32
      %gather3A_573 = tpu.memref_slice %arg8[%gather3A_570, %gather3A_571, %gather3A_572] : memref<4x100x8xf32, #tpu.memory_space<vmem>> -> memref<1x100x8xf32, #tpu.memory_space<vmem>>
      %gather3A_574 = tpu.memref_squeeze %gather3A_573 : memref<1x100x8xf32, #tpu.memory_space<vmem>> -> memref<100x8xf32, #tpu.memory_space<vmem>>
      %gather3A_575 = tpu.vector_load_idx %gather3A_574[%add3A_569, %get3A_567] : memref<100x8xf32, #tpu.memory_space<vmem>>[vector<16xi32>, vector<16xi32>], vector<16xf32>,
      %bitcast3A_576 = vector.bitcast %gather3A_575 : vector<16xf32> to vector<16xi32>
      %and3A_577 = arith.andi %bitcast3A_576, %broadcast_in_dim3A_56 : vector<16xi32>
      %bitcast3A_578 = vector.bitcast %and3A_577 : vector<16xi32> to vector<16xf32>
      %add3A_579 = arith.addf %add3A_556, %bitcast3A_578 : vector<16xf32>
      %shift_left3A_580 = arith.constant 16 : i32
      %shift_left3A_581 = vector.broadcast %shift_left3A_580 : i32 to vector<16xi32>
      %shift_left3A_582 = arith.shli %bitcast3A_576, %shift_left3A_581 : vector<16xi32>
      %bitcast3A_583 = vector.bitcast %shift_left3A_582 : vector<16xi32> to vector<16xf32>
      %add3A_584 = arith.addf %add3A_561, %bitcast3A_583 : vector<16xf32>
      %scan3A_585 = arith.constant 3 : i32
      %mul3A_586 = arith.constant 16 : i32
      %mul3A_587 = arith.muli %mul3A_586, %scan3A_585 : i32
      %get3A_588 = arith.index_cast %add3A_504 : i32 to index
      %get3A_589 = arith.index_cast %mul3A_587 : i32 to index
      %get3A_590 = tpu.vector_load %arg7[%get3A_588, %get3A_589] {strides = array<i32>} : memref<256x100xi32, #tpu.memory_space<vmem>>, vector<16xi32>,
      %add3A_591 = vector.broadcast %mul3A_587 : i32 to vector<16xi32>
      %add3A_592 = arith.addi %add3A_591, %iota3A : vector<16xi32>
      %gather3A_593 = arith.constant 2 : i32
      %gather3A_594 = arith.constant 0 : i32
      %gather3A_595 = arith.constant 0 : i32
      %gather3A_596 = tpu.memref_slice %arg8[%gather3A_593, %gather3A_594, %gather3A_595] : memref<4x100x8xf32, #tpu.memory_space<vmem>> -> memref<1x100x8xf32, #tpu.memory_space<vmem>>
      %gather3A_597 = tpu.memref_squeeze %gather3A_596 : memref<1x100x8xf32, #tpu.memory_space<vmem>> -> memref<100x8xf32, #tpu.memory_space<vmem>>
      %gather3A_598 = tpu.vector_load_idx %gather3A_597[%add3A_592, %get3A_590] : memref<100x8xf32, #tpu.memory_space<vmem>>[vector<16xi32>, vector<16xi32>], vector<16xf32>,
      %bitcast3A_599 = vector.bitcast %gather3A_598 : vector<16xf32> to vector<16xi32>
      %and3A_600 = arith.andi %bitcast3A_599, %broadcast_in_dim3A_56 : vector<16xi32>
      %bitcast3A_601 = vector.bitcast %and3A_600 : vector<16xi32> to vector<16xf32>
      %add3A_602 = arith.addf %add3A_579, %bitcast3A_601 : vector<16xf32>
      %shift_left3A_603 = arith.constant 16 : i32
      %shift_left3A_604 = vector.broadcast %shift_left3A_603 : i32 to vector<16xi32>
      %shift_left3A_605 = arith.shli %bitcast3A_599, %shift_left3A_604 : vector<16xi32>
      %bitcast3A_606 = vector.bitcast %shift_left3A_605 : vector<16xi32> to vector<16xf32>
      %add3A_607 = arith.addf %add3A_584, %bitcast3A_606 : vector<16xf32>
      %scan3A_608 = arith.constant 4 : i32
      %mul3A_609 = arith.constant 16 : i32
      %mul3A_610 = arith.muli %mul3A_609, %scan3A_608 : i32
      %get3A_611 = arith.index_cast %add3A_504 : i32 to index
      %get3A_612 = arith.index_cast %mul3A_610 : i32 to index
      %get3A_613 = tpu.vector_load %arg7[%get3A_611, %get3A_612] {strides = array<i32>} : memref<256x100xi32, #tpu.memory_space<vmem>>, vector<16xi32>,
      %add3A_614 = vector.broadcast %mul3A_610 : i32 to vector<16xi32>
      %add3A_615 = arith.addi %add3A_614, %iota3A : vector<16xi32>
      %gather3A_616 = arith.constant 2 : i32
      %gather3A_617 = arith.constant 0 : i32
      %gather3A_618 = arith.constant 0 : i32
      %gather3A_619 = tpu.memref_slice %arg8[%gather3A_616, %gather3A_617, %gather3A_618] : memref<4x100x8xf32, #tpu.memory_space<vmem>> -> memref<1x100x8xf32, #tpu.memory_space<vmem>>
      %gather3A_620 = tpu.memref_squeeze %gather3A_619 : memref<1x100x8xf32, #tpu.memory_space<vmem>> -> memref<100x8xf32, #tpu.memory_space<vmem>>
      %gather3A_621 = tpu.vector_load_idx %gather3A_620[%add3A_615, %get3A_613] : memref<100x8xf32, #tpu.memory_space<vmem>>[vector<16xi32>, vector<16xi32>], vector<16xf32>,
      %bitcast3A_622 = vector.bitcast %gather3A_621 : vector<16xf32> to vector<16xi32>
      %and3A_623 = arith.andi %bitcast3A_622, %broadcast_in_dim3A_56 : vector<16xi32>
      %bitcast3A_624 = vector.bitcast %and3A_623 : vector<16xi32> to vector<16xf32>
      %add3A_625 = arith.addf %add3A_602, %bitcast3A_624 : vector<16xf32>
      %shift_left3A_626 = arith.constant 16 : i32
      %shift_left3A_627 = vector.broadcast %shift_left3A_626 : i32 to vector<16xi32>
      %shift_left3A_628 = arith.shli %bitcast3A_622, %shift_left3A_627 : vector<16xi32>
      %bitcast3A_629 = vector.bitcast %shift_left3A_628 : vector<16xi32> to vector<16xf32>
      %add3A_630 = arith.addf %add3A_607, %bitcast3A_629 : vector<16xf32>
      %scan3A_631 = arith.constant 5 : i32
      %mul3A_632 = arith.constant 16 : i32
      %mul3A_633 = arith.muli %mul3A_632, %scan3A_631 : i32
      %get3A_634 = arith.index_cast %add3A_504 : i32 to index
      %get3A_635 = arith.index_cast %mul3A_633 : i32 to index
      %get3A_636 = tpu.vector_load %arg7[%get3A_634, %get3A_635] {strides = array<i32>} : memref<256x100xi32, #tpu.memory_space<vmem>>, vector<16xi32>,
      %add3A_637 = vector.broadcast %mul3A_633 : i32 to vector<16xi32>
      %add3A_638 = arith.addi %add3A_637, %iota3A : vector<16xi32>
      %gather3A_639 = arith.constant 2 : i32
      %gather3A_640 = arith.constant 0 : i32
      %gather3A_641 = arith.constant 0 : i32
      %gather3A_642 = tpu.memref_slice %arg8[%gather3A_639, %gather3A_640, %gather3A_641] : memref<4x100x8xf32, #tpu.memory_space<vmem>> -> memref<1x100x8xf32, #tpu.memory_space<vmem>>
      %gather3A_643 = tpu.memref_squeeze %gather3A_642 : memref<1x100x8xf32, #tpu.memory_space<vmem>> -> memref<100x8xf32, #tpu.memory_space<vmem>>
      %gather3A_644 = tpu.vector_load_idx %gather3A_643[%add3A_638, %get3A_636] : memref<100x8xf32, #tpu.memory_space<vmem>>[vector<16xi32>, vector<16xi32>], vector<16xf32>,
      %bitcast3A_645 = vector.bitcast %gather3A_644 : vector<16xf32> to vector<16xi32>
      %and3A_646 = arith.andi %bitcast3A_645, %broadcast_in_dim3A_56 : vector<16xi32>
      %bitcast3A_647 = vector.bitcast %and3A_646 : vector<16xi32> to vector<16xf32>
      %add3A_648 = arith.addf %add3A_625, %bitcast3A_647 : vector<16xf32>
      %shift_left3A_649 = arith.constant 16 : i32
      %shift_left3A_650 = vector.broadcast %shift_left3A_649 : i32 to vector<16xi32>
      %shift_left3A_651 = arith.shli %bitcast3A_645, %shift_left3A_650 : vector<16xi32>
      %bitcast3A_652 = vector.bitcast %shift_left3A_651 : vector<16xi32> to vector<16xf32>
      %add3A_653 = arith.addf %add3A_630, %bitcast3A_652 : vector<16xf32>
      %scan3A_654 = arith.constant 6 : i32
      %get3A_655 = arith.index_cast %add3A_504 : i32 to index
      %get3A_656 = arith.constant 84 : index
      %get3A_657 = tpu.vector_load %arg7[%get3A_655, %get3A_656] {strides = array<i32>} : memref<256x100xi32, #tpu.memory_space<vmem>>, vector<16xi32>,
      %add3A_658 = arith.constant 84 : i32
      %add3A_659 = vector.broadcast %add3A_658 : i32 to vector<16xi32>
      %add3A_660 = arith.addi %add3A_659, %iota3A : vector<16xi32>
      %gather3A_661 = arith.constant 2 : i32
      %gather3A_662 = arith.constant 0 : i32
      %gather3A_663 = arith.constant 0 : i32
      %gather3A_664 = tpu.memref_slice %arg8[%gather3A_661, %gather3A_662, %gather3A_663] : memref<4x100x8xf32, #tpu.memory_space<vmem>> -> memref<1x100x8xf32, #tpu.memory_space<vmem>>
      %gather3A_665 = tpu.memref_squeeze %gather3A_664 : memref<1x100x8xf32, #tpu.memory_space<vmem>> -> memref<100x8xf32, #tpu.memory_space<vmem>>
      %gather3A_666 = tpu.vector_load_idx %gather3A_665[%add3A_660, %get3A_657] masked %ge3A_58 : memref<100x8xf32, #tpu.memory_space<vmem>>[vector<16xi32>, vector<16xi32>], vector<16xf32>, vector<16xi1>
      %bitcast3A_667 = vector.bitcast %gather3A_666 : vector<16xf32> to vector<16xi32>
      %jit3A_668 = arith.constant 0 : i32
      %broadcast_in_dim3A_669 = vector.broadcast %jit3A_668 : i32 to vector<16xi32>
      %select_n3A_670 = arith.select %ge3A_58, %bitcast3A_667, %broadcast_in_dim3A_669 : vector<16xi1>, vector<16xi32>
      %and3A_671 = arith.andi %select_n3A_670, %broadcast_in_dim3A_56 : vector<16xi32>
      %bitcast3A_672 = vector.bitcast %and3A_671 : vector<16xi32> to vector<16xf32>
      %add3A_673 = arith.addf %add3A_648, %bitcast3A_672 : vector<16xf32>
      %shift_left3A_674 = arith.constant 16 : i32
      %shift_left3A_675 = vector.broadcast %shift_left3A_674 : i32 to vector<16xi32>
      %shift_left3A_676 = arith.shli %select_n3A_670, %shift_left3A_675 : vector<16xi32>
      %bitcast3A_677 = vector.bitcast %shift_left3A_676 : vector<16xi32> to vector<16xf32>
      %add3A_678 = arith.addf %add3A_653, %bitcast3A_677 : vector<16xf32>
      %add3A_679 = arith.constant 4 : i32
      %add3A_680 = arith.addi %add3A_504, %add3A_679 : i32
      %min3A_681 = arith.constant 255 : i32
      %min3A_682 = arith.minsi %add3A_680, %min3A_681 : i32
      %dma_start3A_683 = arith.constant 2 : i32
      %dma_start3A_684 = arith.constant 0 : i32
      %dma_start3A_685 = arith.constant 0 : i32
      %dma_start3A_686 = tpu.memref_slice %arg8[%dma_start3A_683, %dma_start3A_684, %dma_start3A_685] : memref<4x100x8xf32, #tpu.memory_space<vmem>> -> memref<1x100x8xf32, #tpu.memory_space<vmem>>
      %dma_start3A_687 = tpu.memref_squeeze %dma_start3A_686 : memref<1x100x8xf32, #tpu.memory_space<vmem>> -> memref<100x8xf32, #tpu.memory_space<vmem>>
      %dma_start3A_688 = arith.constant 0 : i32
      %dma_start3A_689 = tpu.memref_slice %arg6[%min3A_682, %dma_start3A_688] : memref<256x100xi32, #tpu.memory_space<vmem>> -> memref<1x100xi32, #tpu.memory_space<vmem>>
      %dma_start3A_690 = tpu.memref_squeeze %dma_start3A_689 : memref<1x100xi32, #tpu.memory_space<vmem>> -> memref<100xi32, #tpu.memory_space<vmem>>
      %dma_start3A_691 = arith.constant 0 : i32
      %dma_start3A_692 = arith.constant 0 : i32
      %dma_start3A_693 = tpu.memref_slice %arg4[%dma_start3A_691, %dma_start3A_692] : memref<125000x8xf32, #tpu.memory_space<hbm>> -> memref<125000x8xf32, #tpu.memory_space<hbm>>
      tpu.enqueue_indirect_dma source(%dma_start3A_693 : memref<125000x8xf32, #tpu.memory_space<hbm>>) target(%dma_start3A_687 : memref<100x8xf32, #tpu.memory_space<vmem>>) offsets(%dma_start3A_690 : memref<100xi32, #tpu.memory_space<vmem>>) semaphore(%arg12 : memref<!tpu.dma_semaphore, #tpu.memory_space<semaphore_mem>>)
      %add3A_694 = arith.constant 3 : i32
      %add3A_695 = arith.addi %mul3A_115, %add3A_694 : i32
      %dma_wait3A_696 = arith.constant 3 : i32
      %dma_wait3A_697 = arith.constant 0 : i32
      %dma_wait3A_698 = arith.constant 0 : i32
      %dma_wait3A_699 = tpu.memref_slice %arg8[%dma_wait3A_696, %dma_wait3A_697, %dma_wait3A_698] : memref<4x100x8xf32, #tpu.memory_space<vmem>> -> memref<1x100x8xf32, #tpu.memory_space<vmem>>
      %dma_wait3A_700 = tpu.memref_squeeze %dma_wait3A_699 : memref<1x100x8xf32, #tpu.memory_space<vmem>> -> memref<100x8xf32, #tpu.memory_space<vmem>>
      %dma_wait3A_701 = arith.constant 0 : i32
      %dma_wait3A_702 = tpu.memref_slice %arg6[%add3A_695, %dma_wait3A_701] : memref<256x100xi32, #tpu.memory_space<vmem>> -> memref<1x100xi32, #tpu.memory_space<vmem>>
      %dma_wait3A_703 = tpu.memref_squeeze %dma_wait3A_702 : memref<1x100xi32, #tpu.memory_space<vmem>> -> memref<100xi32, #tpu.memory_space<vmem>>
      %dma_wait3A_704 = arith.constant 0 : i32
      %dma_wait3A_705 = arith.constant 0 : i32
      %dma_wait3A_706 = tpu.memref_slice %arg4[%dma_wait3A_704, %dma_wait3A_705] : memref<125000x8xf32, #tpu.memory_space<hbm>> -> memref<125000x8xf32, #tpu.memory_space<hbm>>
      tpu.wait_indirect_dma semaphore(%arg13 : memref<!tpu.dma_semaphore, #tpu.memory_space<semaphore_mem>>) src(%dma_wait3A_706 : memref<125000x8xf32, #tpu.memory_space<hbm>>) dst(%dma_wait3A_700 : memref<100x8xf32, #tpu.memory_space<vmem>>)
      %scan3A_707 = arith.constant 0 : i32
      %mul3A_708 = arith.constant 16 : i32
      %mul3A_709 = arith.muli %mul3A_708, %scan3A_707 : i32
      %get3A_710 = arith.index_cast %add3A_695 : i32 to index
      %get3A_711 = arith.index_cast %mul3A_709 : i32 to index
      %get3A_712 = tpu.vector_load %arg7[%get3A_710, %get3A_711] {strides = array<i32>} : memref<256x100xi32, #tpu.memory_space<vmem>>, vector<16xi32>,
      %add3A_713 = vector.broadcast %mul3A_709 : i32 to vector<16xi32>
      %add3A_714 = arith.addi %add3A_713, %iota3A : vector<16xi32>
      %gather3A_715 = arith.constant 3 : i32
      %gather3A_716 = arith.constant 0 : i32
      %gather3A_717 = arith.constant 0 : i32
      %gather3A_718 = tpu.memref_slice %arg8[%gather3A_715, %gather3A_716, %gather3A_717] : memref<4x100x8xf32, #tpu.memory_space<vmem>> -> memref<1x100x8xf32, #tpu.memory_space<vmem>>
      %gather3A_719 = tpu.memref_squeeze %gather3A_718 : memref<1x100x8xf32, #tpu.memory_space<vmem>> -> memref<100x8xf32, #tpu.memory_space<vmem>>
      %gather3A_720 = tpu.vector_load_idx %gather3A_719[%add3A_714, %get3A_712] : memref<100x8xf32, #tpu.memory_space<vmem>>[vector<16xi32>, vector<16xi32>], vector<16xf32>,
      %bitcast3A_721 = vector.bitcast %gather3A_720 : vector<16xf32> to vector<16xi32>
      %and3A_722 = arith.andi %bitcast3A_721, %broadcast_in_dim3A_56 : vector<16xi32>
      %bitcast3A_723 = vector.bitcast %and3A_722 : vector<16xi32> to vector<16xf32>
      %add3A_724 = arith.addf %add3A_673, %bitcast3A_723 : vector<16xf32>
      %shift_left3A_725 = arith.constant 16 : i32
      %shift_left3A_726 = vector.broadcast %shift_left3A_725 : i32 to vector<16xi32>
      %shift_left3A_727 = arith.shli %bitcast3A_721, %shift_left3A_726 : vector<16xi32>
      %bitcast3A_728 = vector.bitcast %shift_left3A_727 : vector<16xi32> to vector<16xf32>
      %add3A_729 = arith.addf %add3A_678, %bitcast3A_728 : vector<16xf32>
      %scan3A_730 = arith.constant 1 : i32
      %mul3A_731 = arith.constant 16 : i32
      %mul3A_732 = arith.muli %mul3A_731, %scan3A_730 : i32
      %get3A_733 = arith.index_cast %add3A_695 : i32 to index
      %get3A_734 = arith.index_cast %mul3A_732 : i32 to index
      %get3A_735 = tpu.vector_load %arg7[%get3A_733, %get3A_734] {strides = array<i32>} : memref<256x100xi32, #tpu.memory_space<vmem>>, vector<16xi32>,
      %add3A_736 = vector.broadcast %mul3A_732 : i32 to vector<16xi32>
      %add3A_737 = arith.addi %add3A_736, %iota3A : vector<16xi32>
      %gather3A_738 = arith.constant 3 : i32
      %gather3A_739 = arith.constant 0 : i32
      %gather3A_740 = arith.constant 0 : i32
      %gather3A_741 = tpu.memref_slice %arg8[%gather3A_738, %gather3A_739, %gather3A_740] : memref<4x100x8xf32, #tpu.memory_space<vmem>> -> memref<1x100x8xf32, #tpu.memory_space<vmem>>
      %gather3A_742 = tpu.memref_squeeze %gather3A_741 : memref<1x100x8xf32, #tpu.memory_space<vmem>> -> memref<100x8xf32, #tpu.memory_space<vmem>>
      %gather3A_743 = tpu.vector_load_idx %gather3A_742[%add3A_737, %get3A_735] : memref<100x8xf32, #tpu.memory_space<vmem>>[vector<16xi32>, vector<16xi32>], vector<16xf32>,
      %bitcast3A_744 = vector.bitcast %gather3A_743 : vector<16xf32> to vector<16xi32>
      %and3A_745 = arith.andi %bitcast3A_744, %broadcast_in_dim3A_56 : vector<16xi32>
      %bitcast3A_746 = vector.bitcast %and3A_745 : vector<16xi32> to vector<16xf32>
      %add3A_747 = arith.addf %add3A_724, %bitcast3A_746 : vector<16xf32>
      %shift_left3A_748 = arith.constant 16 : i32
      %shift_left3A_749 = vector.broadcast %shift_left3A_748 : i32 to vector<16xi32>
      %shift_left3A_750 = arith.shli %bitcast3A_744, %shift_left3A_749 : vector<16xi32>
      %bitcast3A_751 = vector.bitcast %shift_left3A_750 : vector<16xi32> to vector<16xf32>
      %add3A_752 = arith.addf %add3A_729, %bitcast3A_751 : vector<16xf32>
      %scan3A_753 = arith.constant 2 : i32
      %mul3A_754 = arith.constant 16 : i32
      %mul3A_755 = arith.muli %mul3A_754, %scan3A_753 : i32
      %get3A_756 = arith.index_cast %add3A_695 : i32 to index
      %get3A_757 = arith.index_cast %mul3A_755 : i32 to index
      %get3A_758 = tpu.vector_load %arg7[%get3A_756, %get3A_757] {strides = array<i32>} : memref<256x100xi32, #tpu.memory_space<vmem>>, vector<16xi32>,
      %add3A_759 = vector.broadcast %mul3A_755 : i32 to vector<16xi32>
      %add3A_760 = arith.addi %add3A_759, %iota3A : vector<16xi32>
      %gather3A_761 = arith.constant 3 : i32
      %gather3A_762 = arith.constant 0 : i32
      %gather3A_763 = arith.constant 0 : i32
      %gather3A_764 = tpu.memref_slice %arg8[%gather3A_761, %gather3A_762, %gather3A_763] : memref<4x100x8xf32, #tpu.memory_space<vmem>> -> memref<1x100x8xf32, #tpu.memory_space<vmem>>
      %gather3A_765 = tpu.memref_squeeze %gather3A_764 : memref<1x100x8xf32, #tpu.memory_space<vmem>> -> memref<100x8xf32, #tpu.memory_space<vmem>>
      %gather3A_766 = tpu.vector_load_idx %gather3A_765[%add3A_760, %get3A_758] : memref<100x8xf32, #tpu.memory_space<vmem>>[vector<16xi32>, vector<16xi32>], vector<16xf32>,
      %bitcast3A_767 = vector.bitcast %gather3A_766 : vector<16xf32> to vector<16xi32>
      %and3A_768 = arith.andi %bitcast3A_767, %broadcast_in_dim3A_56 : vector<16xi32>
      %bitcast3A_769 = vector.bitcast %and3A_768 : vector<16xi32> to vector<16xf32>
      %add3A_770 = arith.addf %add3A_747, %bitcast3A_769 : vector<16xf32>
      %shift_left3A_771 = arith.constant 16 : i32
      %shift_left3A_772 = vector.broadcast %shift_left3A_771 : i32 to vector<16xi32>
      %shift_left3A_773 = arith.shli %bitcast3A_767, %shift_left3A_772 : vector<16xi32>
      %bitcast3A_774 = vector.bitcast %shift_left3A_773 : vector<16xi32> to vector<16xf32>
      %add3A_775 = arith.addf %add3A_752, %bitcast3A_774 : vector<16xf32>
      %scan3A_776 = arith.constant 3 : i32
      %mul3A_777 = arith.constant 16 : i32
      %mul3A_778 = arith.muli %mul3A_777, %scan3A_776 : i32
      %get3A_779 = arith.index_cast %add3A_695 : i32 to index
      %get3A_780 = arith.index_cast %mul3A_778 : i32 to index
      %get3A_781 = tpu.vector_load %arg7[%get3A_779, %get3A_780] {strides = array<i32>} : memref<256x100xi32, #tpu.memory_space<vmem>>, vector<16xi32>,
      %add3A_782 = vector.broadcast %mul3A_778 : i32 to vector<16xi32>
      %add3A_783 = arith.addi %add3A_782, %iota3A : vector<16xi32>
      %gather3A_784 = arith.constant 3 : i32
      %gather3A_785 = arith.constant 0 : i32
      %gather3A_786 = arith.constant 0 : i32
      %gather3A_787 = tpu.memref_slice %arg8[%gather3A_784, %gather3A_785, %gather3A_786] : memref<4x100x8xf32, #tpu.memory_space<vmem>> -> memref<1x100x8xf32, #tpu.memory_space<vmem>>
      %gather3A_788 = tpu.memref_squeeze %gather3A_787 : memref<1x100x8xf32, #tpu.memory_space<vmem>> -> memref<100x8xf32, #tpu.memory_space<vmem>>
      %gather3A_789 = tpu.vector_load_idx %gather3A_788[%add3A_783, %get3A_781] : memref<100x8xf32, #tpu.memory_space<vmem>>[vector<16xi32>, vector<16xi32>], vector<16xf32>,
      %bitcast3A_790 = vector.bitcast %gather3A_789 : vector<16xf32> to vector<16xi32>
      %and3A_791 = arith.andi %bitcast3A_790, %broadcast_in_dim3A_56 : vector<16xi32>
      %bitcast3A_792 = vector.bitcast %and3A_791 : vector<16xi32> to vector<16xf32>
      %add3A_793 = arith.addf %add3A_770, %bitcast3A_792 : vector<16xf32>
      %shift_left3A_794 = arith.constant 16 : i32
      %shift_left3A_795 = vector.broadcast %shift_left3A_794 : i32 to vector<16xi32>
      %shift_left3A_796 = arith.shli %bitcast3A_790, %shift_left3A_795 : vector<16xi32>
      %bitcast3A_797 = vector.bitcast %shift_left3A_796 : vector<16xi32> to vector<16xf32>
      %add3A_798 = arith.addf %add3A_775, %bitcast3A_797 : vector<16xf32>
      %scan3A_799 = arith.constant 4 : i32
      %mul3A_800 = arith.constant 16 : i32
      %mul3A_801 = arith.muli %mul3A_800, %scan3A_799 : i32
      %get3A_802 = arith.index_cast %add3A_695 : i32 to index
      %get3A_803 = arith.index_cast %mul3A_801 : i32 to index
      %get3A_804 = tpu.vector_load %arg7[%get3A_802, %get3A_803] {strides = array<i32>} : memref<256x100xi32, #tpu.memory_space<vmem>>, vector<16xi32>,
      %add3A_805 = vector.broadcast %mul3A_801 : i32 to vector<16xi32>
      %add3A_806 = arith.addi %add3A_805, %iota3A : vector<16xi32>
      %gather3A_807 = arith.constant 3 : i32
      %gather3A_808 = arith.constant 0 : i32
      %gather3A_809 = arith.constant 0 : i32
      %gather3A_810 = tpu.memref_slice %arg8[%gather3A_807, %gather3A_808, %gather3A_809] : memref<4x100x8xf32, #tpu.memory_space<vmem>> -> memref<1x100x8xf32, #tpu.memory_space<vmem>>
      %gather3A_811 = tpu.memref_squeeze %gather3A_810 : memref<1x100x8xf32, #tpu.memory_space<vmem>> -> memref<100x8xf32, #tpu.memory_space<vmem>>
      %gather3A_812 = tpu.vector_load_idx %gather3A_811[%add3A_806, %get3A_804] : memref<100x8xf32, #tpu.memory_space<vmem>>[vector<16xi32>, vector<16xi32>], vector<16xf32>,
      %bitcast3A_813 = vector.bitcast %gather3A_812 : vector<16xf32> to vector<16xi32>
      %and3A_814 = arith.andi %bitcast3A_813, %broadcast_in_dim3A_56 : vector<16xi32>
      %bitcast3A_815 = vector.bitcast %and3A_814 : vector<16xi32> to vector<16xf32>
      %add3A_816 = arith.addf %add3A_793, %bitcast3A_815 : vector<16xf32>
      %shift_left3A_817 = arith.constant 16 : i32
      %shift_left3A_818 = vector.broadcast %shift_left3A_817 : i32 to vector<16xi32>
      %shift_left3A_819 = arith.shli %bitcast3A_813, %shift_left3A_818 : vector<16xi32>
      %bitcast3A_820 = vector.bitcast %shift_left3A_819 : vector<16xi32> to vector<16xf32>
      %add3A_821 = arith.addf %add3A_798, %bitcast3A_820 : vector<16xf32>
      %scan3A_822 = arith.constant 5 : i32
      %mul3A_823 = arith.constant 16 : i32
      %mul3A_824 = arith.muli %mul3A_823, %scan3A_822 : i32
      %get3A_825 = arith.index_cast %add3A_695 : i32 to index
      %get3A_826 = arith.index_cast %mul3A_824 : i32 to index
      %get3A_827 = tpu.vector_load %arg7[%get3A_825, %get3A_826] {strides = array<i32>} : memref<256x100xi32, #tpu.memory_space<vmem>>, vector<16xi32>,
      %add3A_828 = vector.broadcast %mul3A_824 : i32 to vector<16xi32>
      %add3A_829 = arith.addi %add3A_828, %iota3A : vector<16xi32>
      %gather3A_830 = arith.constant 3 : i32
      %gather3A_831 = arith.constant 0 : i32
      %gather3A_832 = arith.constant 0 : i32
      %gather3A_833 = tpu.memref_slice %arg8[%gather3A_830, %gather3A_831, %gather3A_832] : memref<4x100x8xf32, #tpu.memory_space<vmem>> -> memref<1x100x8xf32, #tpu.memory_space<vmem>>
      %gather3A_834 = tpu.memref_squeeze %gather3A_833 : memref<1x100x8xf32, #tpu.memory_space<vmem>> -> memref<100x8xf32, #tpu.memory_space<vmem>>
      %gather3A_835 = tpu.vector_load_idx %gather3A_834[%add3A_829, %get3A_827] : memref<100x8xf32, #tpu.memory_space<vmem>>[vector<16xi32>, vector<16xi32>], vector<16xf32>,
      %bitcast3A_836 = vector.bitcast %gather3A_835 : vector<16xf32> to vector<16xi32>
      %and3A_837 = arith.andi %bitcast3A_836, %broadcast_in_dim3A_56 : vector<16xi32>
      %bitcast3A_838 = vector.bitcast %and3A_837 : vector<16xi32> to vector<16xf32>
      %add3A_839 = arith.addf %add3A_816, %bitcast3A_838 : vector<16xf32>
      %shift_left3A_840 = arith.constant 16 : i32
      %shift_left3A_841 = vector.broadcast %shift_left3A_840 : i32 to vector<16xi32>
      %shift_left3A_842 = arith.shli %bitcast3A_836, %shift_left3A_841 : vector<16xi32>
      %bitcast3A_843 = vector.bitcast %shift_left3A_842 : vector<16xi32> to vector<16xf32>
      %add3A_844 = arith.addf %add3A_821, %bitcast3A_843 : vector<16xf32>
      %scan3A_845 = arith.constant 6 : i32
      %get3A_846 = arith.index_cast %add3A_695 : i32 to index
      %get3A_847 = arith.constant 84 : index
      %get3A_848 = tpu.vector_load %arg7[%get3A_846, %get3A_847] {strides = array<i32>} : memref<256x100xi32, #tpu.memory_space<vmem>>, vector<16xi32>,
      %add3A_849 = arith.constant 84 : i32
      %add3A_850 = vector.broadcast %add3A_849 : i32 to vector<16xi32>
      %add3A_851 = arith.addi %add3A_850, %iota3A : vector<16xi32>
      %gather3A_852 = arith.constant 3 : i32
      %gather3A_853 = arith.constant 0 : i32
      %gather3A_854 = arith.constant 0 : i32
      %gather3A_855 = tpu.memref_slice %arg8[%gather3A_852, %gather3A_853, %gather3A_854] : memref<4x100x8xf32, #tpu.memory_space<vmem>> -> memref<1x100x8xf32, #tpu.memory_space<vmem>>
      %gather3A_856 = tpu.memref_squeeze %gather3A_855 : memref<1x100x8xf32, #tpu.memory_space<vmem>> -> memref<100x8xf32, #tpu.memory_space<vmem>>
      %gather3A_857 = tpu.vector_load_idx %gather3A_856[%add3A_851, %get3A_848] masked %ge3A_58 : memref<100x8xf32, #tpu.memory_space<vmem>>[vector<16xi32>, vector<16xi32>], vector<16xf32>, vector<16xi1>
      %bitcast3A_858 = vector.bitcast %gather3A_857 : vector<16xf32> to vector<16xi32>
      %jit3A_859 = arith.constant 0 : i32
      %broadcast_in_dim3A_860 = vector.broadcast %jit3A_859 : i32 to vector<16xi32>
      %select_n3A_861 = arith.select %ge3A_58, %bitcast3A_858, %broadcast_in_dim3A_860 : vector<16xi1>, vector<16xi32>
      %and3A_862 = arith.andi %select_n3A_861, %broadcast_in_dim3A_56 : vector<16xi32>
      %bitcast3A_863 = vector.bitcast %and3A_862 : vector<16xi32> to vector<16xf32>
      %add3A_864 = arith.addf %add3A_839, %bitcast3A_863 : vector<16xf32>
      %shift_left3A_865 = arith.constant 16 : i32
      %shift_left3A_866 = vector.broadcast %shift_left3A_865 : i32 to vector<16xi32>
      %shift_left3A_867 = arith.shli %select_n3A_861, %shift_left3A_866 : vector<16xi32>
      %bitcast3A_868 = vector.bitcast %shift_left3A_867 : vector<16xi32> to vector<16xf32>
      %add3A_869 = arith.addf %add3A_844, %bitcast3A_868 : vector<16xf32>
      %add3A_870 = arith.constant 4 : i32
      %add3A_871 = arith.addi %add3A_695, %add3A_870 : i32
      %min3A_872 = arith.constant 255 : i32
      %min3A_873 = arith.minsi %add3A_871, %min3A_872 : i32
      %dma_start3A_874 = arith.constant 3 : i32
      %dma_start3A_875 = arith.constant 0 : i32
      %dma_start3A_876 = arith.constant 0 : i32
      %dma_start3A_877 = tpu.memref_slice %arg8[%dma_start3A_874, %dma_start3A_875, %dma_start3A_876] : memref<4x100x8xf32, #tpu.memory_space<vmem>> -> memref<1x100x8xf32, #tpu.memory_space<vmem>>
      %dma_start3A_878 = tpu.memref_squeeze %dma_start3A_877 : memref<1x100x8xf32, #tpu.memory_space<vmem>> -> memref<100x8xf32, #tpu.memory_space<vmem>>
      %dma_start3A_879 = arith.constant 0 : i32
      %dma_start3A_880 = tpu.memref_slice %arg6[%min3A_873, %dma_start3A_879] : memref<256x100xi32, #tpu.memory_space<vmem>> -> memref<1x100xi32, #tpu.memory_space<vmem>>
      %dma_start3A_881 = tpu.memref_squeeze %dma_start3A_880 : memref<1x100xi32, #tpu.memory_space<vmem>> -> memref<100xi32, #tpu.memory_space<vmem>>
      %dma_start3A_882 = arith.constant 0 : i32
      %dma_start3A_883 = arith.constant 0 : i32
      %dma_start3A_884 = tpu.memref_slice %arg4[%dma_start3A_882, %dma_start3A_883] : memref<125000x8xf32, #tpu.memory_space<hbm>> -> memref<125000x8xf32, #tpu.memory_space<hbm>>
      tpu.enqueue_indirect_dma source(%dma_start3A_884 : memref<125000x8xf32, #tpu.memory_space<hbm>>) target(%dma_start3A_878 : memref<100x8xf32, #tpu.memory_space<vmem>>) offsets(%dma_start3A_881 : memref<100xi32, #tpu.memory_space<vmem>>) semaphore(%arg13 : memref<!tpu.dma_semaphore, #tpu.memory_space<semaphore_mem>>)
      %mul3A_885 = arith.constant 2 : i32
      %mul3A_886 = arith.muli %mul3A_885, %scan3A_112 : i32
      %add3A_887 = arith.constant 1 : i32
      %add3A_888 = arith.addi %mul3A_886, %add3A_887 : i32
      %swap3A_889 = arith.index_cast %add3A_888 : i32 to index
      %swap3A_890 = arith.constant 0 : index
      %swap3A_891 = tpu.vector_load %arg9[%swap3A_889, %swap3A_890] {strides = array<i32>} : memref<128x32xf32, #tpu.memory_space<vmem>>, vector<16xf32>,
      tpu.vector_store %arg9[%swap3A_889, %swap3A_890], %add3A_864 {strides = array<i32>} : memref<128x32xf32, #tpu.memory_space<vmem>>, vector<16xf32>,
      %mul3A_892 = arith.constant 2 : i32
      %mul3A_893 = arith.muli %mul3A_892, %scan3A_112 : i32
      %add3A_894 = arith.constant 1 : i32
      %add3A_895 = arith.addi %mul3A_893, %add3A_894 : i32
      %swap3A_896 = arith.index_cast %add3A_895 : i32 to index
      %swap3A_897 = arith.constant 16 : index
      %swap3A_898 = tpu.vector_load %arg9[%swap3A_896, %swap3A_897] {strides = array<i32>} : memref<128x32xf32, #tpu.memory_space<vmem>>, vector<16xf32>,
      tpu.vector_store %arg9[%swap3A_896, %swap3A_897], %add3A_869 {strides = array<i32>} : memref<128x32xf32, #tpu.memory_space<vmem>>, vector<16xf32>,
      %scan3A_899 = arith.constant 0 : i32
      scf.yield %scan3A_899 : i32
    }
    %scan3A_64 = arith.constant 64 : i32
    %dma_wait3A = arith.constant 255 : i32
    %dma_wait3A_65 = arith.constant 0 : i32
    %dma_wait3A_66 = arith.constant 0 : i32
    %dma_wait3A_67 = arith.constant 0 : i32
    %dma_wait3A_68 = tpu.memref_slice %arg8[%dma_wait3A_65, %dma_wait3A_66, %dma_wait3A_67] : memref<4x100x8xf32, #tpu.memory_space<vmem>> -> memref<1x100x8xf32, #tpu.memory_space<vmem>>
    %dma_wait3A_69 = tpu.memref_squeeze %dma_wait3A_68 : memref<1x100x8xf32, #tpu.memory_space<vmem>> -> memref<100x8xf32, #tpu.memory_space<vmem>>
    %dma_wait3A_70 = arith.constant 0 : i32
    %dma_wait3A_71 = tpu.memref_slice %arg6[%dma_wait3A, %dma_wait3A_70] : memref<256x100xi32, #tpu.memory_space<vmem>> -> memref<1x100xi32, #tpu.memory_space<vmem>>
    %dma_wait3A_72 = tpu.memref_squeeze %dma_wait3A_71 : memref<1x100xi32, #tpu.memory_space<vmem>> -> memref<100xi32, #tpu.memory_space<vmem>>
    %dma_wait3A_73 = arith.constant 0 : i32
    %dma_wait3A_74 = arith.constant 0 : i32
    %dma_wait3A_75 = tpu.memref_slice %arg4[%dma_wait3A_73, %dma_wait3A_74] : memref<125000x8xf32, #tpu.memory_space<hbm>> -> memref<125000x8xf32, #tpu.memory_space<hbm>>
    tpu.wait_indirect_dma semaphore(%arg10 : memref<!tpu.dma_semaphore, #tpu.memory_space<semaphore_mem>>) src(%dma_wait3A_75 : memref<125000x8xf32, #tpu.memory_space<hbm>>) dst(%dma_wait3A_69 : memref<100x8xf32, #tpu.memory_space<vmem>>)
    %dma_wait3A_76 = arith.constant 255 : i32
    %dma_wait3A_77 = arith.constant 1 : i32
    %dma_wait3A_78 = arith.constant 0 : i32
    %dma_wait3A_79 = arith.constant 0 : i32
    %dma_wait3A_80 = tpu.memref_slice %arg8[%dma_wait3A_77, %dma_wait3A_78, %dma_wait3A_79] : memref<4x100x8xf32, #tpu.memory_space<vmem>> -> memref<1x100x8xf32, #tpu.memory_space<vmem>>
    %dma_wait3A_81 = tpu.memref_squeeze %dma_wait3A_80 : memref<1x100x8xf32, #tpu.memory_space<vmem>> -> memref<100x8xf32, #tpu.memory_space<vmem>>
    %dma_wait3A_82 = arith.constant 0 : i32
    %dma_wait3A_83 = tpu.memref_slice %arg6[%dma_wait3A_76, %dma_wait3A_82] : memref<256x100xi32, #tpu.memory_space<vmem>> -> memref<1x100xi32, #tpu.memory_space<vmem>>
    %dma_wait3A_84 = tpu.memref_squeeze %dma_wait3A_83 : memref<1x100xi32, #tpu.memory_space<vmem>> -> memref<100xi32, #tpu.memory_space<vmem>>
    %dma_wait3A_85 = arith.constant 0 : i32
    %dma_wait3A_86 = arith.constant 0 : i32
    %dma_wait3A_87 = tpu.memref_slice %arg4[%dma_wait3A_85, %dma_wait3A_86] : memref<125000x8xf32, #tpu.memory_space<hbm>> -> memref<125000x8xf32, #tpu.memory_space<hbm>>
    tpu.wait_indirect_dma semaphore(%arg11 : memref<!tpu.dma_semaphore, #tpu.memory_space<semaphore_mem>>) src(%dma_wait3A_87 : memref<125000x8xf32, #tpu.memory_space<hbm>>) dst(%dma_wait3A_81 : memref<100x8xf32, #tpu.memory_space<vmem>>)
    %dma_wait3A_88 = arith.constant 255 : i32
    %dma_wait3A_89 = arith.constant 2 : i32
    %dma_wait3A_90 = arith.constant 0 : i32
    %dma_wait3A_91 = arith.constant 0 : i32
    %dma_wait3A_92 = tpu.memref_slice %arg8[%dma_wait3A_89, %dma_wait3A_90, %dma_wait3A_91] : memref<4x100x8xf32, #tpu.memory_space<vmem>> -> memref<1x100x8xf32, #tpu.memory_space<vmem>>
    %dma_wait3A_93 = tpu.memref_squeeze %dma_wait3A_92 : memref<1x100x8xf32, #tpu.memory_space<vmem>> -> memref<100x8xf32, #tpu.memory_space<vmem>>
    %dma_wait3A_94 = arith.constant 0 : i32
    %dma_wait3A_95 = tpu.memref_slice %arg6[%dma_wait3A_88, %dma_wait3A_94] : memref<256x100xi32, #tpu.memory_space<vmem>> -> memref<1x100xi32, #tpu.memory_space<vmem>>
    %dma_wait3A_96 = tpu.memref_squeeze %dma_wait3A_95 : memref<1x100xi32, #tpu.memory_space<vmem>> -> memref<100xi32, #tpu.memory_space<vmem>>
    %dma_wait3A_97 = arith.constant 0 : i32
    %dma_wait3A_98 = arith.constant 0 : i32
    %dma_wait3A_99 = tpu.memref_slice %arg4[%dma_wait3A_97, %dma_wait3A_98] : memref<125000x8xf32, #tpu.memory_space<hbm>> -> memref<125000x8xf32, #tpu.memory_space<hbm>>
    tpu.wait_indirect_dma semaphore(%arg12 : memref<!tpu.dma_semaphore, #tpu.memory_space<semaphore_mem>>) src(%dma_wait3A_99 : memref<125000x8xf32, #tpu.memory_space<hbm>>) dst(%dma_wait3A_93 : memref<100x8xf32, #tpu.memory_space<vmem>>)
    %dma_wait3A_100 = arith.constant 255 : i32
    %dma_wait3A_101 = arith.constant 3 : i32
    %dma_wait3A_102 = arith.constant 0 : i32
    %dma_wait3A_103 = arith.constant 0 : i32
    %dma_wait3A_104 = tpu.memref_slice %arg8[%dma_wait3A_101, %dma_wait3A_102, %dma_wait3A_103] : memref<4x100x8xf32, #tpu.memory_space<vmem>> -> memref<1x100x8xf32, #tpu.memory_space<vmem>>
    %dma_wait3A_105 = tpu.memref_squeeze %dma_wait3A_104 : memref<1x100x8xf32, #tpu.memory_space<vmem>> -> memref<100x8xf32, #tpu.memory_space<vmem>>
    %dma_wait3A_106 = arith.constant 0 : i32
    %dma_wait3A_107 = tpu.memref_slice %arg6[%dma_wait3A_100, %dma_wait3A_106] : memref<256x100xi32, #tpu.memory_space<vmem>> -> memref<1x100xi32, #tpu.memory_space<vmem>>
    %dma_wait3A_108 = tpu.memref_squeeze %dma_wait3A_107 : memref<1x100xi32, #tpu.memory_space<vmem>> -> memref<100xi32, #tpu.memory_space<vmem>>
    %dma_wait3A_109 = arith.constant 0 : i32
    %dma_wait3A_110 = arith.constant 0 : i32
    %dma_wait3A_111 = tpu.memref_slice %arg4[%dma_wait3A_109, %dma_wait3A_110] : memref<125000x8xf32, #tpu.memory_space<hbm>> -> memref<125000x8xf32, #tpu.memory_space<hbm>>
    tpu.wait_indirect_dma semaphore(%arg13 : memref<!tpu.dma_semaphore, #tpu.memory_space<semaphore_mem>>) src(%dma_wait3A_111 : memref<125000x8xf32, #tpu.memory_space<hbm>>) dst(%dma_wait3A_105 : memref<100x8xf32, #tpu.memory_space<vmem>>)
    "tpu.region"() ({
      %run_scoped3A = tpu.sem_alloc : memref<!tpu.dma_semaphore, #tpu.memory_space<semaphore_mem>>
      %dma_start3A_112 = arith.constant 0 : i32
      %dma_start3A_113 = tpu.memref_slice %arg5[%mul3A_2, %dma_start3A_112] : memref<4096x32xf32, #tpu.memory_space<hbm>> -> memref<128x32xf32, #tpu.memory_space<hbm>>
      %dma_start3A_114 = arith.constant 0 : i32
      %dma_start3A_115 = tpu.memref_slice %arg5[%mul3A_2, %dma_start3A_114] : memref<4096x32xf32, #tpu.memory_space<hbm>> -> memref<128x32xf32, #tpu.memory_space<hbm>>
      tpu.enqueue_dma source(%arg9 : memref<128x32xf32, #tpu.memory_space<vmem>>) target(%dma_start3A_115 : memref<128x32xf32, #tpu.memory_space<hbm>>) target_semaphore(%run_scoped3A : memref<!tpu.dma_semaphore, #tpu.memory_space<semaphore_mem>>)
      %dma_wait3A_116 = arith.constant 0 : i32
      %dma_wait3A_117 = tpu.memref_slice %arg5[%mul3A_2, %dma_wait3A_116] : memref<4096x32xf32, #tpu.memory_space<hbm>> -> memref<128x32xf32, #tpu.memory_space<hbm>>
      %dma_wait3A_118 = arith.constant 0 : i32
      %dma_wait3A_119 = tpu.memref_slice %arg5[%mul3A_2, %dma_wait3A_118] : memref<4096x32xf32, #tpu.memory_space<hbm>> -> memref<128x32xf32, #tpu.memory_space<hbm>>
      tpu.wait_dma2 semaphore(%run_scoped3A : memref<!tpu.dma_semaphore, #tpu.memory_space<semaphore_mem>>) src(%arg9 : memref<128x32xf32, #tpu.memory_space<vmem>>) dst(%dma_wait3A_119 : memref<128x32xf32, #tpu.memory_space<hbm>>)
      tpu.yield
    }) : () -> ()
    return
  }
}

module attributes {stable_mosaic.version = 14 : i64} {
  func.func @_proj_body(%arg0: i32, %arg1: memref<64x32768xf32, #tpu.memory_space<vmem>>, %arg2: memref<2x64xf32, #tpu.memory_space<vmem>>, %arg3: memref<32768xf32, #tpu.memory_space<vmem>>) attributes {dimension_semantics = [#tpu.dimension_semantics<arbitrary>], iteration_bounds = array<i64: 31>, scalar_prefetch = 0 : i64, scratch_operands = 0 : i64, tpu.core_type = #tpu.core_type<tc>, window_params = [{transform_indices = @transform_0, window_bounds = array<i64: 64, 32768>}, {pipeline_mode = #tpu.pipeline_mode<synchronous>, transform_indices = @transform_1, window_bounds = array<i64: 2, 64>}, {transform_indices = @transform_2, window_bounds = array<i64: 32768>}]} {
    %get3A = arith.constant 0 : index
    %get3A_0 = arith.constant 0 : index
    %get3A_1 = vector.load %arg2[%get3A, %get3A_0] : memref<2x64xf32, #tpu.memory_space<vmem>>, vector<2x64xf32>
    %get3A_2 = arith.constant 0 : index
    %get3A_3 = arith.constant 0 : index
    %get3A_4 = vector.load %arg1[%get3A_2, %get3A_3] : memref<64x32768xf32, #tpu.memory_space<vmem>>, vector<64x32768xf32>
    %dot_general3A = arith.constant dense<0.000000e+00> : vector<2x32768xf32>
    %dot_general3A_5 = tpu.matmul %get3A_1, %get3A_4, %dot_general3A {dimension_numbers = #tpu.dot_dimension_numbers<[1], [0], [0], [1], [0, 0, 1, 1], [], []>, transpose_lhs_hint = false} : vector<2x64xf32>, vector<64x32768xf32>, vector<2x32768xf32> -> vector<2x32768xf32>
    %slice3A = vector.extract_strided_slice %dot_general3A_5 {offsets = [0, 0], sizes = [1, 32768], strides = [1, 1]} : vector<2x32768xf32> to vector<1x32768xf32>
    %squeeze3A = vector.shape_cast %slice3A : vector<1x32768xf32> to vector<32768xf32>
    %convert_element_type3A = arith.truncf %squeeze3A : vector<32768xf32> to vector<32768xbf16>
    %bitcast_convert_type3A = tpu.bitcast %convert_element_type3A : vector<32768xbf16> -> vector<32768xi16>
    %convert_element_type3A_6 = arith.extui %bitcast_convert_type3A : vector<32768xi16> to vector<32768xi32>
    %slice3A_7 = vector.extract_strided_slice %dot_general3A_5 {offsets = [1, 0], sizes = [1, 32768], strides = [1, 1]} : vector<2x32768xf32> to vector<1x32768xf32>
    %squeeze3A_8 = vector.shape_cast %slice3A_7 : vector<1x32768xf32> to vector<32768xf32>
    %convert_element_type3A_9 = arith.truncf %squeeze3A_8 : vector<32768xf32> to vector<32768xbf16>
    %bitcast_convert_type3A_10 = tpu.bitcast %convert_element_type3A_9 : vector<32768xbf16> -> vector<32768xi16>
    %convert_element_type3A_11 = arith.extui %bitcast_convert_type3A_10 : vector<32768xi16> to vector<32768xi32>
    %shift_left3A = arith.constant 16 : i32
    %shift_left3A_12 = vector.broadcast %shift_left3A : i32 to vector<32768xi32>
    %shift_left3A_13 = arith.shli %convert_element_type3A_6, %shift_left3A_12 : vector<32768xi32>
    %or3A = arith.ori %shift_left3A_13, %convert_element_type3A_11 : vector<32768xi32>
    %bitcast_convert_type3A_14 = tpu.bitcast %or3A : vector<32768xi32> -> vector<32768xf32>
    %swap3A = arith.constant 0 : index
    %swap3A_15 = vector.load %arg3[%swap3A] : memref<32768xf32, #tpu.memory_space<vmem>>, vector<32768xf32>
    tpu.vector_store %arg3[%swap3A], %bitcast_convert_type3A_14 {strides = array<i32>} : memref<32768xf32, #tpu.memory_space<vmem>>, vector<32768xf32>,
    return
  }
  func.func @transform_0(%arg0: i32) -> (i32, i32) {
    %c0_i32 = arith.constant 0 : i32
    %c0_i32_0 = arith.constant 0 : i32
    return %c0_i32, %arg0 : i32, i32
  }
  func.func @transform_1(%arg0: i32) -> (i32, i32) {
    %c0_i32 = arith.constant 0 : i32
    %c0_i32_0 = arith.constant 0 : i32
    %c0_i32_1 = arith.constant 0 : i32
    return %c0_i32, %c0_i32_0 : i32, i32
  }
  func.func @transform_2(%arg0: i32) -> i32 {
    %c0_i32 = arith.constant 0 : i32
    return %arg0 : i32
  }
}

module attributes {stable_mosaic.version = 14 : i64} {
  func.func @_head_body(%arg0: i32, %arg1: memref<512x200xi32, #tpu.memory_space<vmem>>, %arg2: memref<512x32xf32, #tpu.memory_space<vmem>>, %arg3: memref<1x2xf32, #tpu.memory_space<vmem>>, %arg4: memref<512x2xf32, #tpu.memory_space<vmem>>) attributes {dimension_semantics = [#tpu.dimension_semantics<arbitrary>], iteration_bounds = array<i64: 8>, scalar_prefetch = 0 : i64, scratch_operands = 0 : i64, tpu.core_type = #tpu.core_type<tc>, window_params = [{transform_indices = @transform_0, window_bounds = array<i64: 512, 200>}, {transform_indices = @transform_1, window_bounds = array<i64: 512, 32>}, {pipeline_mode = #tpu.pipeline_mode<synchronous>, transform_indices = @transform_2, window_bounds = array<i64: 1, 2>}, {transform_indices = @transform_3, window_bounds = array<i64: 512, 2>}]} {
    %get3A = arith.constant 0 : index
    %get3A_0 = arith.constant 0 : index
    %get3A_1 = vector.load %arg1[%get3A, %get3A_0] : memref<512x200xi32, #tpu.memory_space<vmem>>, vector<512x200xi32>
    %ne3A = arith.constant 0 : i32
    %ne3A_2 = vector.broadcast %ne3A : i32 to vector<512x200xi32>
    %ne3A_3 = arith.cmpi ne, %get3A_1, %ne3A_2 : vector<512x200xi32>
    %convert_element_type3A = arith.extui %ne3A_3 : vector<512x200xi1> to vector<512x200xi32>
    %convert_element_type3A_4 = arith.sitofp %convert_element_type3A : vector<512x200xi32> to vector<512x200xf32>
    %reduce_sum3A = arith.constant dense<0.000000e+00> : vector<512xf32>
    %reduce_sum3A_5 = vector.multi_reduction <add>, %convert_element_type3A_4, %reduce_sum3A [1] : vector<512x200xf32> to vector<512xf32>
    %broadcast_in_dim3A = vector.shape_cast %reduce_sum3A_5 : vector<512xf32> to vector<512x1xf32>
    %get3A_6 = arith.constant 0 : index
    %get3A_7 = arith.constant 0 : index
    %get3A_8 = vector.load %arg2[%get3A_6, %get3A_7] : memref<512x32xf32, #tpu.memory_space<vmem>>, vector<512x16xf32>
    %reduce_sum3A_9 = arith.constant dense<0.000000e+00> : vector<512xf32>
    %reduce_sum3A_10 = vector.multi_reduction <add>, %get3A_8, %reduce_sum3A_9 [1] : vector<512x16xf32> to vector<512xf32>
    %broadcast_in_dim3A_11 = vector.shape_cast %reduce_sum3A_10 : vector<512xf32> to vector<512x1xf32>
    %get3A_12 = arith.constant 0 : index
    %get3A_13 = arith.constant 16 : index
    %get3A_14 = vector.load %arg2[%get3A_12, %get3A_13] : memref<512x32xf32, #tpu.memory_space<vmem>>, vector<512x16xf32>
    %reduce_sum3A_15 = arith.constant dense<0.000000e+00> : vector<512xf32>
    %reduce_sum3A_16 = vector.multi_reduction <add>, %get3A_14, %reduce_sum3A_15 [1] : vector<512x16xf32> to vector<512xf32>
    %broadcast_in_dim3A_17 = vector.shape_cast %reduce_sum3A_16 : vector<512xf32> to vector<512x1xf32>
    %concatenate3A = tpu.concatenate %broadcast_in_dim3A_11, %broadcast_in_dim3A_17 in 1 : vector<512x1xf32>, vector<512x1xf32> -> vector<512x2xf32>
    %add3A = arith.constant 9.99999993E-9 : f32
    %add3A_18 = vector.broadcast %add3A : f32 to vector<512x1xf32>
    %add3A_19 = arith.addf %broadcast_in_dim3A, %add3A_18 : vector<512x1xf32>
    %div3A = vector.broadcast %add3A_19 : vector<512x1xf32> to vector<512x2xf32>
    %div3A_20 = arith.divf %concatenate3A, %div3A : vector<512x2xf32>
    %get3A_21 = arith.constant 0 : index
    %get3A_22 = arith.constant 0 : index
    %get3A_23 = vector.load %arg3[%get3A_21, %get3A_22] : memref<1x2xf32, #tpu.memory_space<vmem>>, vector<1x2xf32>
    %add3A_24 = vector.broadcast %get3A_23 : vector<1x2xf32> to vector<512x2xf32>
    %add3A_25 = arith.addf %div3A_20, %add3A_24 : vector<512x2xf32>
    %swap3A = arith.constant 0 : index
    %swap3A_26 = arith.constant 0 : index
    %swap3A_27 = vector.load %arg4[%swap3A, %swap3A_26] : memref<512x2xf32, #tpu.memory_space<vmem>>, vector<512x2xf32>
    tpu.vector_store %arg4[%swap3A, %swap3A_26], %add3A_25 {strides = array<i32>} : memref<512x2xf32, #tpu.memory_space<vmem>>, vector<512x2xf32>,
    return
  }
  func.func @transform_0(%arg0: i32) -> (i32, i32) {
    %c0_i32 = arith.constant 0 : i32
    %c0_i32_0 = arith.constant 0 : i32
    return %arg0, %c0_i32 : i32, i32
  }
  func.func @transform_1(%arg0: i32) -> (i32, i32) {
    %c0_i32 = arith.constant 0 : i32
    %c0_i32_0 = arith.constant 0 : i32
    return %arg0, %c0_i32 : i32, i32
  }
  func.func @transform_2(%arg0: i32) -> (i32, i32) {
    %c0_i32 = arith.constant 0 : i32
    %c0_i32_0 = arith.constant 0 : i32
    %c0_i32_1 = arith.constant 0 : i32
    return %c0_i32, %c0_i32_0 : i32, i32
  }
  func.func @transform_3(%arg0: i32) -> (i32, i32) {
    %c0_i32 = arith.constant 0 : i32
    %c0_i32_0 = arith.constant 0 : i32
    return %arg0, %c0_i32 : i32, i32
  }
}

</mosaic_0001>

<sc_bundles>
// kernel: kernel.5.cloned.1.call-start
scs
__scs_entry_jumppad:
0x0: {  	(pc) =	sbr.rel $0x88, $3  }
0x1: {  	(tag) =	ssettag $0x0;
	lr =	simm.s32 $0x1  }
0x2: {  	[smem:$0x3F9D] =	sst lr;
	_ =	strace $0xD0000000  }
0x3: {  	_ = 	snop  }
0x4: {  	_ = 	snop  }
0x5: {  	_ = 	snop  }
0x6: {  	_ = 	snop  }
0x7: {  	_ = 	snop  }
__scs_overlays_trampoline_lowered:
0x8: {  	[smem:$0x3FAC] =	sst s0  }
0x9: {  	[smem:$0x3FAD] =	sst s1  }
0xa: {  	[smem:$0x3FAE] =	sst s2  }
0xb: {  	[smem:$0x3FAF] =	sst s3  }
0xc: {  	[smem:$0x3FB0] =	sst s4  }
0xd: {  	[smem:$0x3FB1] =	sst s5  }
0xe: {  	[smem:$0x3FB2] =	sst s6  }
0xf: {  	[smem:$0x3FB3] =	sst s7  }
0x10: {  	[smem:$0x3FB4] =	sst s8  }
0x11: {  	[smem:$0x3FB5] =	sst s9;
	s0 =	simm.s32 @!p0 $0x0  }
0x12: {  	s1 =	sld [smem:$0x3F9B];
	s0 =	simm.s32 @p0 $0x1  }
0x13: {  	[smem:$0x3FB6] =	sst s0;
	s0 =	simm.s32 @!p1 $0x0  }
0x14: {  	s2 =	sld [smem:$0x3F9A];
	s0 =	simm.s32 @p1 $0x1  }
0x15: {  	[smem:$0x3FB7] =	sst s0;
	s0 =	simm.s32 @!p2 $0x0  }
0x16: {  	s3 =	sld [smem:$0x3FDB];
	s0 =	simm.s32 @p2 $0x1  }
0x17: {  	s4 =	simm.s32 $0x1BF5;
	[smem:$0x3FB9] =	sst s0  }
0x18: {  	s0 =	sld [smem:$0x3F9C];
	_ =	swait.ge [sflag:s4], $0x0  }
0x19: {  	s7 =	sld [smem:$0x3F9D]  }
0x1a: {  	s8 =	sadd.s32 $0xFFFFE003, lr  }
0x1b: {  	s9 =	sadd.s32 $0xFFFFFEF7, lr;
	s5 =	simm.s32 $0xFFFFFFFF;
	p2 =	slt.u32 s8, $0xFFFFF086  }
0x1c: {  	p1 =	slt.u32 s9, $0xF7A;
	s5 =	simm.s32 @!p2 $0x0  }
0x1d: {  	s5 =	simm.s32 @p1 $0x1;
	p0 =	seq.s32 s7, s2  }
0x1e: {  	s7 =	smul.u32 @!p0 $0xF7A, s2;
	p2 =	seq.s32 @!p0 s5, $0x0  }
0x1f: {  	s9 =	smul.u32 $0xF7A, s1;
	s8 =	simm.s32 @!p0 $0x1BF5;
	p2 =	por !p2, p0  }
0x20: {  	[sflag:s8] =	ssyncset.s32 @!p0 $0xFFFFF086;
	s6 =	sadd.s32 @!p0 s3, s7;
	s7 =	simm.s32 @!p0 $0x108  }
0x21: {  	s3 =	sadd.s32 s3, s9;
	s6 =	sadd.s32 @!p0 $0x88, s6;
	s7 =	simm.s32 @p2 $0x1082  }
0x22: {  	[simem:s7], [sflag:s8] =	dma.local @!p0 [hbm:s6], $0xF7A  }
0x23: {  	s9 =	sor.u32 $0xD0000000, s2;
	s6 =	simm.s32 $0x108;
	_ =	swait.ge @!p0 [sflag:s8], $0x0  }
0x24: {  	s3 =	sadd.s32 $0x88, s3;
	s6 =	simm.s32 @!p1 $0x1082;
	[sflag:s4] =	ssyncset.s32 $0xFFFFF086  }
0x25: {  	[simem:s6], [sflag:s4] =	dma.local [hbm:s3], $0xF7A  }
0x26: {  	[smem:$0x3F9D] =	sst s1;
	(tag) =	ssettag s2;
	_ =	strace s9  }
0x27: {  	s1 =	sld [smem:$0x3FAD]  }
0x28: {  	s2 =	sld [smem:$0x3FAE]  }
0x29: {  	s4 =	sld [smem:$0x3FB0]  }
0x2a: {  	p0 =	seq.s32 s5, $0x0;
	s5 =	sld [smem:$0x3FB1]  }
0x2b: {  	s6 =	sld [smem:$0x3FB2]  }
0x2c: {  	s7 =	sld [smem:$0x3FB3]  }
0x2d: {  	s3 =	simm.s32 $0x108;
	s8 =	sld [smem:$0x3FB4]  }
0x2e: {  	s3 =	simm.s32 @!p0 $0x1082;
	s9 =	sld [smem:$0x3FB5]  }
0x2f: {  	lr =	sadd.s32 s0, s3;
	s0 =	sld [smem:$0x3FAC]  }
0x30: {  	s3 =	sld [smem:$0x3FAF]  }
0x31: {  	[smem:$0x3FB8] =	sst s10  }
0x32: {  	s10 =	sld [smem:$0x3FB6];
	_ =	sdelay $0x3  }
0x33: {  	p0 =	seq.s32 s10, $0x1;
	s10 =	sld [smem:$0x3FB8];
	_ =	sdelay $0x3  }
0x34: {  	[smem:$0x3FB8] =	sst s10  }
0x35: {  	s10 =	sld [smem:$0x3FB7];
	_ =	sdelay $0x3  }
0x36: {  	p1 =	seq.s32 s10, $0x1;
	s10 =	sld [smem:$0x3FB8];
	_ =	sdelay $0x3  }
0x37: {  	[smem:$0x3FB8] =	sst s10  }
0x38: {  	s10 =	sld [smem:$0x3FB9]  }
0x39: {  	_ = 	snop;
	(pc) =	sbr.ind lr, $3  }
0x3a: {  	_ = 	snop  }
0x3b: {  	_ = 	snop  }
0x3c: {  	p2 =	seq.s32 s10, $0x1;
	s10 =	sld [smem:$0x3FB8]  }
0x3d: {  	_ =	shalt  }
0x3e: {  	_ =	shalt  }
0x3f: {  	_ =	shalt  }
0x40: {  	_ =	shalt  }
0x41: {  	_ =	shalt  }
0x42: {  	_ =	shalt  }
0x43: {  	_ =	shalt  }
0x44: {  	_ =	shalt  }
0x45: {  	_ =	shalt  }
0x46: {  	_ =	shalt  }
0x47: {  	_ =	shalt  }
0x48: {  	_ =	shalt  }
0x49: {  	_ =	shalt  }
0x4a: {  	_ =	shalt  }
0x4b: {  	_ =	shalt  }
0x4c: {  	_ =	shalt  }
0x4d: {  	_ =	shalt  }
0x4e: {  	_ =	shalt  }
0x4f: {  	_ =	shalt  }
0x50: {  	_ =	shalt  }
0x51: {  	_ =	shalt  }
0x52: {  	_ =	shalt  }
0x53: {  	_ =	shalt  }
0x54: {  	_ =	shalt  }
0x55: {  	_ =	shalt  }
0x56: {  	_ =	shalt  }
0x57: {  	_ =	shalt  }
0x58: {  	_ =	shalt  }
0x59: {  	_ =	shalt  }
0x5a: {  	_ =	shalt  }
0x5b: {  	_ =	shalt  }
0x5c: {  	_ =	shalt  }
0x5d: {  	_ =	shalt  }
0x5e: {  	_ =	shalt  }
0x5f: {  	_ =	shalt  }
0x60: {  	_ =	shalt  }
0x61: {  	_ =	shalt  }
0x62: {  	_ =	shalt  }
0x63: {  	_ =	shalt  }
0x64: {  	_ =	shalt  }
0x65: {  	_ =	shalt  }
0x66: {  	_ =	shalt  }
0x67: {  	_ =	shalt  }
0x68: {  	_ =	shalt  }
0x69: {  	_ =	shalt  }
0x6a: {  	_ =	shalt  }
0x6b: {  	_ =	shalt  }
0x6c: {  	_ =	shalt  }
0x6d: {  	_ =	shalt  }
0x6e: {  	_ =	shalt  }
0x6f: {  	_ =	shalt  }
0x70: {  	_ =	shalt  }
0x71: {  	_ =	shalt  }
0x72: {  	_ =	shalt  }
0x73: {  	_ =	shalt  }
0x74: {  	_ =	shalt  }
0x75: {  	_ =	shalt  }
0x76: {  	_ =	shalt  }
0x77: {  	_ =	shalt  }
0x78: {  	_ =	shalt  }
0x79: {  	_ =	shalt  }
0x7a: {  	_ =	shalt  }
0x7b: {  	_ =	shalt  }
0x7c: {  	_ =	shalt  }
0x7d: {  	_ =	shalt  }
0x7e: {  	_ =	shalt  }
0x7f: {  	_ =	shalt  }
0x80: {  	_ =	shalt  }
0x81: {  	_ =	shalt  }
0x82: {  	_ =	shalt  }
0x83: {  	_ =	shalt  }
0x84: {  	_ =	shalt  }
0x85: {  	_ =	shalt  }
0x86: {  	_ =	shalt  }
0x87: {  	_ =	shalt  }
.Lfunc_end0:
.L_simem_size_0:
called_computation_lowered:
.L_overlay_start_0:
0x88: {  	s2 =	sld [smem:$0x3FD9]  }
0x89: {  	s3 =	sld [smem:$0x3FFE];
	_ =	sdelay $0x1  }
0x8a: {  	s1 =	srdreg.scid  }
0x8b: {  	s0 =	sand.u32 $0x1, s1  }
0x8c: {  	s16 =	sshll.u32 s0, $0xA;
	s2 =	sadd.s32 s3, s2  }
0x8d: {  	s2 =	sadd.s32 s2, s16  }
0x8e: {  	[smem:$0x3FC4] =	sst s2  }
0x8f: {  	_ = 	snop  }
0x90: {  	(tm) =	ssettm $0x1  }
0x91: {  	s17 =	sld [smem:$0x3FFB];
	_ =	sdelay $0x3  }
0x92: {  	_ =	strace s17  }
0x93: {  	s2 =	sld [smem:$0x3FFC];
	_ =	sdelay $0x3  }
0x94: {  	_ =	strace s2  }
0x95: {  	s2 =	sld [smem:$0x3FFD];
	_ =	sdelay $0x3  }
0x96: {  	_ =	strace s2  }
0x97: {  	_ =	strace $0x8FFFFFFF  }
0x98: {  	s18 =	sld [smem:$0x3FDB];
	_ =	sdelay $0x1  }
0x99: {  	s19 =	simm.s32 $_scs_section_size  }
0x9a: {  	s4 =	simm.s32 $_size__tile_overlayer_lowered;
	s5 =	simm.s32 $_tile_overlayer_lowered  }
0x9b: {  	s22 =	simm.s32 $0x1BFF;
	s21 =	sshll.u32 s5, $0x1;
	s2 =	sadd.s32 s19, s18  }
0x9c: {  	s6 =	simm.s32 $0x0;
	s20 =	sshll.u32 s4, $0x1;
	s4 =	sadd.s32 s21, s2  }
0x9d: {  	[timem:s6], [sflag:s22] =	dma.local [hbm:s4], s20  }
0x9e: {  	_ =	swait.ge [sflag:s22], s20  }
0x9f: {  	s3 =	ssub.s32 $0x0, s20;
	[sflag:s22] =	ssyncset.done $0x0  }
0xa0: {  	[sflag:s22] =	ssyncadd.s32 s3;
	_ =	sdelay $0x1  }
0xa1: {  	s23 =	simm.s32 $0x1B8B  }
0xa2: {  	_ =	swait.ge [sflag:s23], $0x1  }
0xa3: {  	[sflag:s23] =	ssyncset.done $0x0  }
0xa4: {  	s25 =	simm.s32 $0x1B8E;
	s24 =	sld [smem:$0x3FFE];
	[sflag:s23] =	ssyncadd.s32 $0xFFFFFFFF  }
0xa5: {  	s26 =	simm.s32 $execute0_lowered;
	[smem:$0x3FD2] =	sst s25  }
0xa6: {  	s4 =	sshll.u32 s26, $0x1;
	_ =	strace $0x80000046;
	[dreg:$0x1] =	wrdreg $0xFFFFFFFF  }
0xa7: {  	s28 =	simm.s32 $_size_execute0_lowered;
	s2 =	sadd.s32 s2, s4;
	[dreg:$0x0] =	wrdreg $0x0  }
0xa8: {  	s4 =	sshll.u32 s28, $0x1;
	[dreg:$0x2] =	wrdreg s2  }
0xa9: {  	[dreg:$0x3] =	wrdreg s4  }
0xaa: {  	[dreg:$0x4] =	wrdreg $0xC0  }
0xab: {  	_ =	task [dreg:s6], $0x5FFFF  }
0xac: {  	[dreg:$0x1] =	wrdreg $0xFFFFFFFF  }
0xad: {  	[dreg:$0x0] =	wrdreg $0x60  }
0xae: {  	[dreg:$0x2] =	wrdreg s24  }
0xaf: {  	[dreg:$0x3] =	wrdreg $0x9  }
0xb0: {  	_ =	task.clear_ibuf [dreg:s6], $0x4FFFF;
	_ =	strace $0x90000046  }
0xb1: {  	s29 =	simm.s32 $0x9;
	_ =	strace $0x80000048  }
0xb2: {  	_ =	swait.ge [sflag:s29], $0x1  }
0xb3: {  	[sflag:s29] =	ssyncadd.s32 $0xFFFFFFFF  }
0xb4: {  	_ =	strace $0x90000048  }
0xb5: {  	_ =	sfence  }
0xb6: {  	s30 =	sld [smem:$0x0];
	_ =	sdelay $0x2  }
0xb7: {  	s31 =	sshll.u32 s1, $0xD;
	s1 =	sshrl.u32 s1, $0x2  }
0xb8: {  	s3 =	sand.u32 $0x4000, s31;
	s1 =	sadd.s32 s1, s30  }
0xb9: {  	s0 =	sor.u32 s3, s0;
	s1 =	sshll.u32 s1, $0x11  }
0xba: {  	s0 =	sor.u32 s1, s0  }
0xbb: {  	s0 =	sadd.s32 $0x8F2B, s0  }
0xbc: {  	[sflag:s0] =	ssyncadd.remote.s32 $0x1  }
0xbd: {  	_ =	sfence.sel $0xFFFF  }
0xbe: {  	[dreg:$0x0] =	wrdreg $0xFFFFFFFF;
	(pc) =	sbr.abs _section_cstart, $3  }
0xbf: {  	[dreg:$0x1] =	wrdreg $0xFFFFFFFF  }
0xc0: {  	_ =	task.clear_ibuf [dreg:s6], $0x2FFFF;
	_ =	strace $0x9FFFFFFF  }
0xc1: {  	(tm) =	ssettm $0x7FFFFFFF  }
tec
execute0_lowered:
.L_overlay_start_1:
0x0: {  	(tag) =	ssettag $0x1  }
0x1: {  	s1 =	srdreg.scid;
	s0 =	stileid.u32  }
0x2: {  	s4 =	rddreg [dreg:$0x0];
	s2 =	simm.s32 $0x0;
	s9 =	simm.s32 $0x6800  }
0x3: {  	s10 =	simm.s32 $0x64;
	s11 =	simm.s32 $0xD000;
	s12 =	simm.s32 $0x68  }
0x4: {  	s13 =	simm.s32 $0xD320;
	s14 =	simm.s32 $0xD0;
	s15 =	simm.s32 $0xD640  }
0x5: {  	s16 =	simm.s32 $0x138;
	s17 =	simm.s32 $0xD960;
	s18 =	simm.s32 $0x1  }
0x6: {  	s19 =	simm.s32 $0x2;
	s20 =	simm.s32 $0x3;
	s21 =	simm.s32 $0x4  }
0x7: {  	s22 =	simm.s32 $0xDC80;
	s3 =	sand.u32 $0x1, s1;
	s5 =	sshll.u32 s0, $0x1  }
0x8: {  	s23 =	simm.s32 $0x0;
	s1 =	rddreg [dreg:$0x1];
	s5 =	sor.u32 s3, s5  }
0x9: {  	v0 =	vlaneseq.u32;
	[smem:$0x7FF] =	sst s2;
	s7 =	ssub.s32 $0x2, s3;
	s6 =	smul.u32 $0xD00, s5  }
0xa: {  	v0 =	vmul.u32 $0x8, v0;
	_ =	strace $0x80000047;
	s3 =	sadd.s32 $0x34E00, s4;
	s31 =	sshrl.u32 s7, $0x1  }
0xb: {  	vm0 =	vcmask $0x3F30;
	vm1 =	vmmov $0xfff;
	s5 =	sshll.u32 s5, $0x9;
	s7 =	ssub.s32 s7, s31;
	s6 =	sadd.s32 s6, s4  }
0xc: {  	v1 =	vor.u32 $0x80, v0;
	v2 =	vor.u32 $0x100, v0;
	v3 =	vor.u32 $0x180, v0;
	s8 =	sadd.s32 s5, s4;
	s7 =	smax.u32 s7, $0x1;
	s4 =	sadd.s32 $0x1AE00, s6  }
0xd: {  	v4 =	vor.u32 $0x200, v0;
	v5 =	vor.u32 $0x280, v0;
	v6 =	vadd.s32 $0x2A0, v0;
	s5 =	sadd.s32 $0xE00, s6;
	s6 =	sadd.s32 $0x53800, s8;
	s8 =	simm.s32 $0x5  }
.LBB2_1:
0xe: {  	[tilespmem:s2], [sflag:$0x5] =	stream.linear.gather [hbm4b:s4+s2], $0x6800, $0x38;
	[tilespmem:$0xEC80] =	vst v63  }
0xf: {  	_ =	swait.ge [sflag:s8], $0x6800  }
0x10: {  	[sflag:s8] =	ssyncset.done $0x0  }
0x11: {  	[sflag:s8] =	ssyncadd.s32 $0xFFFF9800  }
0x12: {  	[tilespmem:s9], [sflag:$0x5] =	stream.linear.gather [hbm4b:s5+s2], $0x6800, $0x38;
	[tilespmem:$0xEC80] =	vst v63  }
0x13: {  	_ =	swait.ge [sflag:s8], $0x6800  }
0x14: {  	[sflag:s8] =	ssyncset.done $0x0  }
0x15: {  	[sflag:s8] =	ssyncadd.s32 $0xFFFF9800  }
0x16: {  	[tilespmem:s11], [sflag:$0x1] =	stream.indirect.gather [hbm4b:s3+s10], $0x8, s2, s10, $0xb8;
	[tilespmem:$0xEC80] =	vst v63  }
0x17: {  	_ = 	snop  }
0x18: {  	[tilespmem:s13], [sflag:$0x2] =	stream.indirect.gather [hbm4b:s3+s10], $0x8, s12, s10, $0xb8;
	[tilespmem:$0xEC80] =	vst v63  }
0x19: {  	_ = 	snop  }
0x1a: {  	[tilespmem:s15], [sflag:$0x3] =	stream.indirect.gather [hbm4b:s3+s10], $0x8, s14, s10, $0xb8;
	[tilespmem:$0xEC80] =	vst v63  }
0x1b: {  	s24 =	simm.s32 $0xDCA0;
	s25 =	simm.s32 $0x68D0;
	s26 =	simm.s32 $0x0  }
0x1c: {  	[tilespmem:s17], [sflag:$0x4] =	stream.indirect.gather [hbm4b:s3+s10], $0x8, s16, s10, $0xb8;
	[tilespmem:$0xEC80] =	vst v63  }
.LBB2_2:
0x1d: {  	_ =	swait.ge [sflag:s18], $0x320  }
0x1e: {  	[sflag:s18] =	ssyncset.done $0x0  }
0x1f: {  	[sflag:s18] =	ssyncadd.s32 $0xFFFFFCE0  }
0x20: {  	v7 =	vld [tilespmem:s25+$0xFFFFFF30]  }
0x21: {  	v8 =	vld [tilespmem:s25+$0xFFFFFF40]  }
0x22: {  	v9 =	vld [tilespmem:s25+$0xFFFFFF50]  }
0x23: {  	v10 =	vld [tilespmem:s25+$0xFFFFFF60]  }
0x24: {  	v11 =	vld [tilespmem:s25+$0xFFFFFF70]  }
0x25: {  	v12 =	vld [tilespmem:s25+$0xFFFFFF80];
	v7 =	vadd.s32 v0, v7  }
0x26: {  	v13 =	vld [tilespmem:s25+$0xFFFFFF84];
	v8 =	vadd.s32 v1, v8  }
0x27: {  	v9 =	vadd.s32 v2, v9  }
0x28: {  	v10 =	vadd.s32 v3, v10  }
0x29: {  	v11 =	vadd.s32 v4, v11  }
0x2a: {  	v12 =	vadd.s32 v5, v12;
	v7 =	vld.idx.msk [tilespmem:v7+s11+$0x0], $0xffff  }
0x2b: {  	s28 =	smin.u32 s26, $0xFB;
	v13 =	vadd.s32 v6, v13;
	v8 =	vld.idx.msk [tilespmem:v8+s11+$0x0], $0xffff  }
0x2c: {  	s28 =	smul.u32 $0x1A0, s28;
	v9 =	vld.idx.msk [tilespmem:v9+s11+$0x0], $0xffff  }
0x2d: {  	v10 =	vld.idx.msk [tilespmem:v10+s11+$0x0], $0xffff  }
0x2e: {  	s28 =	sshrl.u32 s28, $0x2;
	v11 =	vld.idx.msk [tilespmem:v11+s11+$0x0], $0xffff  }
0x2f: {  	s28 =	sadd.s32 $0x1A0, s28;
	v12 =	vld.idx.msk [tilespmem:v12+s11+$0x0], $0xffff  }
0x30: {  	v13 =	vld.idx.msk [tilespmem:v13+s11+$0x0], vm0;
	[tilespmem:s11], [sflag:$0x1] =	stream.indirect.gather [hbm4b:s3+s10], $0x8, s28, s10, $0xb8;
	[tilespmem:$0xEC80] =	vst v63  }
0x31: {  	_ =	swait.ge [sflag:s19], $0x320  }
0x32: {  	[sflag:s19] =	ssyncset.done $0x0  }
0x33: {  	[sflag:s19] =	ssyncadd.s32 $0xFFFFFCE0  }
0x34: {  	v14 =	vld [tilespmem:s25+$0xFFFFFF98]  }
0x35: {  	v15 =	vand.u32 $0xFFFF0000, v7  }
0x36: {  	v16 =	vld [tilespmem:s25+$0xFFFFFFA8];
	v7 =	vshll.u32 v7, $0x10;
	v15 =	vadd.f32 $0.0e+00, v15  }
0x37: {  	v17 =	vand.u32 $0xFFFF0000, v8;
	v7 =	vadd.f32 $0.0e+00, v7  }
0x38: {  	v39 =	vld [tilespmem:s25+$0xFFFFFFB8];
	v8 =	vshll.u32 v8, $0x10;
	v15 =	vadd.f32 v17, v15  }
0x39: {  	v7 =	vadd.f32 v8, v7;
	v8 =	vand.u32 $0xFFFF0000, v9;
	v14 =	vadd.s32 v0, v14  }
0x3a: {  	v40 =	vld [tilespmem:s25+$0xFFFFFFC8];
	v9 =	vshll.u32 v9, $0x10;
	v8 =	vadd.f32 v8, v15  }
0x3b: {  	v41 =	vand.u32 $0xFFFF0000, v10;
	v16 =	vadd.s32 v1, v16;
	v7 =	vadd.f32 v9, v7  }
0x3c: {  	v43 =	vld [tilespmem:s25+$0xFFFFFFD8];
	v42 =	vshll.u32 v10, $0x10;
	v8 =	vadd.f32 v41, v8  }
0x3d: {  	v46 =	vld [tilespmem:s25+$0xFFFFFFE8];
	v44 =	vand.u32 $0xFFFF0000, v11;
	v17 =	vadd.s32 v2, v39;
	v7 =	vadd.f32 v42, v7  }
0x3e: {  	v45 =	vshll.u32 v11, $0x10;
	v14 =	vld.idx.msk [tilespmem:v14+s13+$0x0], $0xffff;
	v8 =	vadd.f32 v44, v8  }
0x3f: {  	v18 =	vld [tilespmem:s25+$0xFFFFFFEC];
	v47 =	vand.u32 $0xFFFF0000, v12;
	v15 =	vadd.s32 v3, v40;
	v7 =	vadd.f32 v45, v7  }
0x40: {  	v48 =	vshll.u32 v12, $0x10;
	v49 =	vsel vm1, $0x0, v13;
	v50 =	vld.idx.msk [tilespmem:v16+s13+$0x0], $0xffff;
	v8 =	vadd.f32 v47, v8  }
0x41: {  	v51 =	vand.u32 $0xFFFF0000, v49;
	v10 =	vadd.s32 v4, v43;
	v7 =	vadd.f32 v48, v7  }
0x42: {  	v52 =	vshll.u32 v49, $0x10;
	v53 =	vld.idx.msk [tilespmem:v17+s13+$0x0], $0xffff;
	v8 =	vadd.f32 v51, v8  }
0x43: {  	v11 =	vadd.s32 v5, v46;
	v7 =	vadd.f32 v52, v7;
	v54 =	vand.u32 $0xFFFF0000, v14  }
0x44: {  	v57 =	vadd.s32 v6, v18;
	v56 =	vld.idx.msk [tilespmem:v15+s13+$0x0], $0xffff;
	v55 =	vshll.u32 v14, $0x10;
	v8 =	vadd.f32 v54, v8  }
0x45: {  	v58 =	vand.u32 $0xFFFF0000, v50;
	v7 =	vadd.f32 v55, v7  }
0x46: {  	v10 =	vld.idx.msk [tilespmem:v10+s13+$0x0], $0xffff;
	v59 =	vshll.u32 v50, $0x10;
	v8 =	vadd.f32 v58, v8  }
0x47: {  	v60 =	vand.u32 $0xFFFF0000, v53;
	v7 =	vadd.f32 v59, v7  }
0x48: {  	v11 =	vld.idx.msk [tilespmem:v11+s13+$0x0], $0xffff;
	v61 =	vshll.u32 v53, $0x10;
	v8 =	vadd.f32 v60, v8  }
0x49: {  	v63 =	vld.idx.msk [tilespmem:v57+s13+$0x0], vm0;
	v62 =	vand.u32 $0xFFFF0000, v56;
	v7 =	vadd.f32 v61, v7  }
0x4a: {  	v13 =	vshll.u32 v56, $0x10;
	v8 =	vadd.f32 v62, v8  }
0x4b: {  	v14 =	vand.u32 $0xFFFF0000, v10;
	v7 =	vadd.f32 v13, v7  }
0x4c: {  	s29 =	smin.u32 s26, $0xFA;
	v15 =	vshll.u32 v10, $0x10;
	v8 =	vadd.f32 v14, v8  }
0x4d: {  	s28 =	smul.u32 $0x1A0, s29;
	v16 =	vand.u32 $0xFFFF0000, v11;
	v7 =	vadd.f32 v15, v7  }
0x4e: {  	v17 =	vshll.u32 v11, $0x10;
	v18 =	vsel vm1, $0x0, v63;
	v8 =	vadd.f32 v16, v8  }
0x4f: {  	s28 =	sshrl.u32 s28, $0x2;
	v19 =	vand.u32 $0xFFFF0000, v18;
	v7 =	vadd.f32 v17, v7  }
0x50: {  	s28 =	sadd.s32 $0x208, s28;
	v20 =	vshll.u32 v18, $0x10;
	v8 =	vadd.f32 v19, v8  }
0x51: {  	[tilespmem:s13], [sflag:$0x2] =	stream.indirect.gather [hbm4b:s3+s10], $0x8, s28, s10, $0xb8;
	v7 =	vadd.f32 v20, v7;
	[tilespmem:$0xEC80] =	vst v63  }
0x52: {  	[tilespmem:s24+$0xFFFFFFE0] =	vst v8  }
0x53: {  	[tilespmem:s24+$0xFFFFFFF0] =	vst v7  }
0x54: {  	_ =	swait.ge [sflag:s20], $0x320  }
0x55: {  	[sflag:s20] =	ssyncset.done $0x0  }
0x56: {  	[sflag:s20] =	ssyncadd.s32 $0xFFFFFCE0  }
0x57: {  	v7 =	vld [tilespmem:s25+$0x0]  }
0x58: {  	v8 =	vld [tilespmem:s25+$0x10]  }
0x59: {  	v21 =	vld [tilespmem:s25+$0x20]  }
0x5a: {  	v22 =	vld [tilespmem:s25+$0x30]  }
0x5b: {  	v23 =	vld [tilespmem:s25+$0x40]  }
0x5c: {  	v24 =	vld [tilespmem:s25+$0x50];
	v7 =	vadd.s32 v0, v7  }
0x5d: {  	v25 =	vld [tilespmem:s25+$0x54];
	v8 =	vadd.s32 v1, v8  }
0x5e: {  	v9 =	vadd.s32 v2, v21  }
0x5f: {  	v10 =	vadd.s32 v3, v22  }
0x60: {  	v11 =	vadd.s32 v4, v23  }
0x61: {  	v12 =	vadd.s32 v5, v24;
	v7 =	vld.idx.msk [tilespmem:v7+s15+$0x0], $0xffff  }
0x62: {  	s30 =	smin.u32 s26, $0xF9;
	v13 =	vadd.s32 v6, v25;
	v8 =	vld.idx.msk [tilespmem:v8+s15+$0x0], $0xffff  }
0x63: {  	s28 =	smul.u32 $0x1A0, s30;
	v9 =	vld.idx.msk [tilespmem:v9+s15+$0x0], $0xffff  }
0x64: {  	v10 =	vld.idx.msk [tilespmem:v10+s15+$0x0], $0xffff  }
0x65: {  	s28 =	sshrl.u32 s28, $0x2;
	v11 =	vld.idx.msk [tilespmem:v11+s15+$0x0], $0xffff  }
0x66: {  	s28 =	sadd.s32 $0x270, s28;
	v12 =	vld.idx.msk [tilespmem:v12+s15+$0x0], $0xffff  }
0x67: {  	v13 =	vld.idx.msk [tilespmem:v13+s15+$0x0], vm0;
	[tilespmem:s15], [sflag:$0x3] =	stream.indirect.gather [hbm4b:s3+s10], $0x8, s28, s10, $0xb8;
	[tilespmem:$0xEC80] =	vst v63  }
0x68: {  	_ =	swait.ge [sflag:s21], $0x320  }
0x69: {  	[sflag:s21] =	ssyncset.done $0x0  }
0x6a: {  	[sflag:s21] =	ssyncadd.s32 $0xFFFFFCE0  }
0x6b: {  	v26 =	vld [tilespmem:s25+$0x68]  }
0x6c: {  	v27 =	vand.u32 $0xFFFF0000, v7  }
0x6d: {  	v28 =	vld [tilespmem:s25+$0x78];
	v7 =	vshll.u32 v7, $0x10;
	v15 =	vadd.f32 $0.0e+00, v27  }
0x6e: {  	v29 =	vand.u32 $0xFFFF0000, v8;
	v7 =	vadd.f32 $0.0e+00, v7  }
0x6f: {  	v30 =	vld [tilespmem:s25+$0x88];
	v8 =	vshll.u32 v8, $0x10;
	v15 =	vadd.f32 v29, v15  }
0x70: {  	v7 =	vadd.f32 v8, v7;
	v8 =	vand.u32 $0xFFFF0000, v9;
	v14 =	vadd.s32 v0, v26  }
0x71: {  	v31 =	vld [tilespmem:s25+$0x98];
	v9 =	vshll.u32 v9, $0x10;
	v8 =	vadd.f32 v8, v15  }
0x72: {  	v32 =	vand.u32 $0xFFFF0000, v10;
	v16 =	vadd.s32 v1, v28;
	v7 =	vadd.f32 v9, v7  }
0x73: {  	v34 =	vld [tilespmem:s25+$0xA8];
	v33 =	vshll.u32 v10, $0x10;
	v8 =	vadd.f32 v32, v8  }
0x74: {  	v37 =	vld [tilespmem:s25+$0xB8];
	v35 =	vand.u32 $0xFFFF0000, v11;
	v17 =	vadd.s32 v2, v30;
	v7 =	vadd.f32 v33, v7  }
0x75: {  	v36 =	vshll.u32 v11, $0x10;
	v14 =	vld.idx.msk [tilespmem:v14+s17+$0x0], $0xffff;
	v8 =	vadd.f32 v35, v8  }
0x76: {  	v39 =	vld [tilespmem:s25+$0xBC];
	v38 =	vand.u32 $0xFFFF0000, v12;
	v15 =	vadd.s32 v3, v31;
	v7 =	vadd.f32 v36, v7  }
0x77: {  	v40 =	vshll.u32 v12, $0x10;
	v41 =	vsel vm1, $0x0, v13;
	v42 =	vld.idx.msk [tilespmem:v16+s17+$0x0], $0xffff;
	v8 =	vadd.f32 v38, v8  }
0x78: {  	v43 =	vand.u32 $0xFFFF0000, v41;
	v10 =	vadd.s32 v4, v34;
	v7 =	vadd.f32 v40, v7  }
0x79: {  	v44 =	vshll.u32 v41, $0x10;
	v45 =	vld.idx.msk [tilespmem:v17+s17+$0x0], $0xffff;
	v8 =	vadd.f32 v43, v8  }
0x7a: {  	v11 =	vadd.s32 v5, v37;
	v7 =	vadd.f32 v44, v7;
	v46 =	vand.u32 $0xFFFF0000, v14  }
0x7b: {  	v49 =	vadd.s32 v6, v39;
	v48 =	vld.idx.msk [tilespmem:v15+s17+$0x0], $0xffff;
	v47 =	vshll.u32 v14, $0x10;
	v8 =	vadd.f32 v46, v8  }
0x7c: {  	v50 =	vand.u32 $0xFFFF0000, v42;
	v7 =	vadd.f32 v47, v7  }
0x7d: {  	v10 =	vld.idx.msk [tilespmem:v10+s17+$0x0], $0xffff;
	v51 =	vshll.u32 v42, $0x10;
	v8 =	vadd.f32 v50, v8  }
0x7e: {  	v52 =	vand.u32 $0xFFFF0000, v45;
	v7 =	vadd.f32 v51, v7  }
0x7f: {  	v11 =	vld.idx.msk [tilespmem:v11+s17+$0x0], $0xffff;
	v53 =	vshll.u32 v45, $0x10;
	v8 =	vadd.f32 v52, v8  }
0x80: {  	v55 =	vld.idx.msk [tilespmem:v49+s17+$0x0], vm0;
	v54 =	vand.u32 $0xFFFF0000, v48;
	v7 =	vadd.f32 v53, v7  }
0x81: {  	v56 =	vshll.u32 v48, $0x10;
	v8 =	vadd.f32 v54, v8  }
0x82: {  	v57 =	vand.u32 $0xFFFF0000, v10;
	v7 =	vadd.f32 v56, v7  }
0x83: {  	s31 =	smin.u32 s26, $0xF8;
	v58 =	vshll.u32 v10, $0x10;
	v8 =	vadd.f32 v57, v8  }
0x84: {  	s28 =	smul.u32 $0x1A0, s31;
	v59 =	vand.u32 $0xFFFF0000, v11;
	v7 =	vadd.f32 v58, v7  }
0x85: {  	p0 =	sne.s32 s26, $0xFC;
	v60 =	vshll.u32 v11, $0x10;
	v61 =	vsel vm1, $0x0, v55;
	v8 =	vadd.f32 v59, v8  }
.Ltmp0:
0x86: {  	s28 =	sshrl.u32 s28, $0x2;
	v62 =	vand.u32 $0xFFFF0000, v61;
	v7 =	vadd.f32 v60, v7;
	(pc) =	sbr.rel @p0 .LBB2_2-.Ltmp0, $4  }
0x87: {  	s28 =	sadd.s32 $0x2D8, s28;
	v63 =	vshll.u32 v61, $0x10;
	v8 =	vadd.f32 v62, v8  }
0x88: {  	[tilespmem:s17], [sflag:$0x4] =	stream.indirect.gather [hbm4b:s3+s10], $0x8, s28, s10, $0xb8;
	v7 =	vadd.f32 v63, v7;
	[tilespmem:$0xEC80] =	vst v63  }
0x89: {  	[tilespmem:s24+$0x0] =	vst v8  }
0x8a: {  	s26 =	sadd.s32 $0x4, s26;
	s25 =	sadd.s32 $0x1A0, s25;
	[tilespmem:s24+$0x10] =	vst v7;
	s24 =	sadd.s32 $0x40, s24  }
0x8b: {  	_ =	swait.ge [sflag:s18], $0x320  }
0x8c: {  	[sflag:s18] =	ssyncset.done $0x0  }
0x8d: {  	[sflag:s18] =	ssyncadd.s32 $0xFFFFFCE0  }
0x8e: {  	_ =	swait.ge [sflag:s19], $0x320  }
0x8f: {  	[sflag:s19] =	ssyncset.done $0x0  }
0x90: {  	[sflag:s19] =	ssyncadd.s32 $0xFFFFFCE0  }
0x91: {  	_ =	swait.ge [sflag:s20], $0x320  }
0x92: {  	[sflag:s20] =	ssyncset.done $0x0  }
0x93: {  	[sflag:s20] =	ssyncadd.s32 $0xFFFFFCE0  }
0x94: {  	s23 =	sadd.s32 $0x1, s23;
	_ =	swait.ge [sflag:s21], $0x320  }
0x95: {  	p0 =	sne.s32 s23, s7;
	[sflag:s21] =	ssyncset.done $0x0  }
.Ltmp1:
0x96: {  	[sflag:s21] =	ssyncadd.s32 $0xFFFFFCE0;
	(pc) =	sbr.rel @p0 .LBB2_1-.Ltmp1, $4  }
0x97: {  	[hbm4b:s6+s2] =	stream.linear.scatter [tilespmem:s22], [sflag:$0x5], $0x1000, $0x38;
	[tilespmem:$0xEC80] =	vst v63  }
0x98: {  	_ =	swait.ge [sflag:s8], $0x1000  }
0x99: {  	[sflag:s8] =	ssyncset.done $0x0  }
0x9a: {  	[sflag:s8] =	ssyncadd.s32 $0xFFFFF000  }
0x9b: {  	_ =	sfence.sel $0x180000  }
0x9c: {  	[bflag:$0x0] =	sbarrier.arrive $0xFFFF  }
0x9d: {  	p0 =	sne.s32 s0, $0x0;
	_ =	strace $0x90000047  }
0x9e: {  	s0 =	sadd.s32 @!p0 $0x100000, s1;
	[bflag:$0x2] =	sbarrier.arrive $0xFFFF  }
0x9f: {  	[sflag:s0] =	ssyncadd.tile.s32 @!p0 $0x1;
	_ =	shalt  }
.Lfunc_end2:
_tile_overlayer_lowered:
.L_overlay_start_2:
0xa0: {  	(tag) =	ssettag $0x2  }
0xa1: {  	s0 =	rddreg [dreg:$0x0];
	s2 =	stileid.u32  }
0xa2: {  	s1 =	rddreg [dreg:$0x1];
	p0 =	sne.s32 s2, $0x0  }
0xa3: {  	s3 =	rddreg [dreg:$0x2];
	[bflag:$0x3] =	sbarrier.arrive $0xFFFF;
	s2 =	simm.s32 @!p0 $0x1C05  }
0xa4: {  	[timem:s3], [sflag:s2] =	dma.local @!p0 [hbm:s0], s1  }
0xa5: {  	s0 =	simm.s32 @!p0 $0x5  }
0xa6: {  	_ =	swait.ge @!p0 [sflag:s0], s1  }
0xa7: {  	s1 =	ssub.s32 @!p0 $0x0, s1;
	[sflag:s0] =	ssyncset.done @!p0 $0x0  }
0xa8: {  	[sflag:s0] =	ssyncadd.s32 @!p0 s1  }
0xa9: {  	[bflag:$0x3] =	sbarrier.arrive $0xFFFF  }
0xaa: {  	_ =	shalt  }

</sc_bundles>
